<compile_context>
chip_gen: v7x
topology: tpu7x:2x2x1
jax: 0.10.2.dev20260603
libtpu: 0.0.44.dev20260713+nightly
codegen_flags: <defaults>
</compile_context>

<pallas_src>
import jax
import jax.numpy as jnp
from jax import lax
from jax.experimental import pallas as pl
from jax.experimental.pallas import tpu as pltpu
from jax.experimental.pallas import tpu_sc as plsc

_NUM_SEQ = 100000
_NUM_FRAMES = 20
_DIM = 32
_BATCH = 4096
_SEL = 20

_NC = 2
_NS = 16
_NW = _NC * _NS
_B_PER_W = _BATCH // _NW
_P_PER_W = _B_PER_W * _SEL
_GCHUNK = 128
_NCHUNK = _P_PER_W // _GCHUNK

_DIV_MAGIC = 3277
_DIV_SHIFT = 16


def _body(table_hbm, seq_hbm, frame_hbm, out_hbm, seq_v, frm_v, idx_v, rows_v, sem):
    wid = lax.axis_index("s") * _NC + lax.axis_index("c")
    pbase = wid * _P_PER_W
    bbase = wid * _B_PER_W

    pltpu.sync_copy(seq_hbm.at[pl.ds(bbase, _B_PER_W)], seq_v)
    pltpu.sync_copy(frame_hbm.at[pl.ds(pbase, _P_PER_W)], frm_v)

    lane = lax.iota(jnp.int32, 16)
    c_magic = jnp.full((16,), _DIV_MAGIC, jnp.int32)
    c_shift = jnp.full((16,), _DIV_SHIFT, jnp.int32)
    c_nf = jnp.full((16,), _NUM_FRAMES, jnp.int32)
    c_step = jnp.full((16,), 16, jnp.int32)

    @pl.loop(0, _P_PER_W // 16, init_carry=lane)
    def _compute_idx(i, p):
        b = lax.shift_right_logical(p * c_magic, c_shift)
        seq = plsc.load_gather(seq_v, [b])
        f = frm_v[pl.ds(i * 16, 16)]
        j = i // (_GCHUNK // 16)
        col = (i % (_GCHUNK // 16)) * 16
        idx_v[j, pl.ds(col, 16)] = seq * c_nf + f
        return p + c_step

    copies = []
    for j in range(_NCHUNK):
        copies.append(
            pltpu.async_copy(
                table_hbm.at[idx_v.at[j]],
                rows_v.at[pl.ds(j * _GCHUNK, _GCHUNK)],
                sem,
            )
        )
    for c in copies:
        c.wait()

    c_zero = jnp.zeros((16,), jnp.float32)

    @pl.loop(0, _P_PER_W * (_DIM // 16))
    def _relu(i):
        r = i // (_DIM // 16)
        c = (i % (_DIM // 16)) * 16
        rows_v[r, pl.ds(c, 16)] = jnp.maximum(rows_v[r, pl.ds(c, 16)], c_zero)

    pltpu.sync_copy(rows_v, out_hbm.at[pl.ds(pbase, _P_PER_W)])


@jax.jit
def kernel(table, seq_idx, frame_idx):
    table_flat = table.reshape(_NUM_SEQ * _NUM_FRAMES, _DIM)
    frames_flat = frame_idx.reshape(_BATCH * _SEL)
    mesh = plsc.VectorSubcoreMesh(core_axis_name="c", subcore_axis_name="s")
    out = pl.kernel(
        _body,
        out_type=jax.ShapeDtypeStruct((_BATCH * _SEL, _DIM), jnp.float32),
        mesh=mesh,
        compiler_params=pltpu.CompilerParams(
            use_tc_tiling_on_sc=False, needs_layout_passes=False),
        scratch_types=[
            pltpu.VMEM((_B_PER_W,), jnp.int32),
            pltpu.VMEM((_P_PER_W,), jnp.int32),
            pltpu.VMEM((_NCHUNK, _GCHUNK), jnp.int32),
            pltpu.VMEM((_P_PER_W, _DIM), jnp.float32),
            pltpu.SemaphoreType.DMA,
        ],
    )(table_flat, seq_idx, frames_flat)
    return out.reshape(_BATCH, _SEL, _DIM)

# --- scband reference (transcript-rebuilt; emitter-appended) ---
"""Pipeline reference for scband-lookup-table-63359357550840 (READ-ONLY COPY).

The authoritative reference and input builder live on the scoring server;
editing this copy changes nothing except your own understanding.
"""

import jax, jax.numpy as jnp
import numpy as np

NUM_SEQ = 100000
NUM_FRAMES = 20
DIM = 32
BATCH = 4096
SEL_FRAMES = 20


def setup_inputs(seed: int = 0) -> dict:
    key = jax.random.key(seed)
    k1, k2, k3 = jax.random.split(key, 3)
    # Learned parameter: nn.Parameter(torch.zeros(size)) -- use randn so relu/grads are nontrivial
    table = jax.random.normal(k1, (NUM_SEQ, NUM_FRAMES, DIM), dtype=jnp.float32)
    seq_idx = jax.random.randint(k2, (BATCH,), 0, NUM_SEQ, dtype=jnp.int64 if jax.config.jax_enable_x64 else jnp.int32).astype(jnp.int32)
    frame_idx = jax.random.randint(k3, (BATCH, SEL_FRAMES), 0, NUM_FRAMES).astype(jnp.int32)
    return {"table": table, "seq_idx": seq_idx, "frame_idx": frame_idx}


def reference(table, seq_idx, frame_idx):
    # out = self.table[seq_idx]
    out = jnp.take(table, seq_idx, axis=0)  # [B, NUM_FRAMES, DIM]
    # frame_idx unsqueezed (out.dim()-2 == 1 time) then repeated along feature dim, gather on dim 1
    fidx = jnp.broadcast_to(frame_idx[:, :, None], (frame_idx.shape[0], frame_idx.shape[1], out.shape[2]))
    out = jnp.take_along_axis(out, fidx, axis=1)  # [B, SEL_FRAMES, DIM]
    # activation = relu
    out = jnp.maximum(out, 0.0)
    return out

if __name__ == "__main__":
    import jax
    _d = setup_inputs()
    print(jax.jit(kernel)(*tuple(_d.values())))

</pallas_src>

<mosaic_0001>
#map = affine_map<(d0, d1) -> (0, 0)>
#map1 = affine_map<(d0, d1) -> (0)>
module attributes {stable_mosaic.version = 14 : i64} {
  func.func @_body(%arg0: i32, %arg1: i32, %arg2: memref<2000000x32xf32, #tpu.memory_space<hbm>>, %arg3: memref<4096xi32, #tpu.memory_space<hbm>>, %arg4: memref<81920xi32, #tpu.memory_space<hbm>>, %arg5: memref<81920x32xf32, #tpu.memory_space<hbm>>, %arg6: memref<128xi32, #tpu.memory_space<vmem>>, %arg7: memref<2560xi32, #tpu.memory_space<vmem>>, %arg8: memref<20x128xi32, #tpu.memory_space<vmem>>, %arg9: memref<2560x32xf32, #tpu.memory_space<vmem>>, %arg10: memref<!tpu.dma_semaphore, #tpu.memory_space<semaphore_mem>>) attributes {dimension_semantics = [#tpu.dimension_semantics<core_parallel>, #tpu.dimension_semantics<subcore_parallel>], iteration_bounds = array<i64: 2, 16>, scalar_prefetch = 0 : i64, scratch_operands = 5 : i64, tpu.core_type = #tpu.core_type<sc_vector_subcore>, window_params = [{transform_indices = #map}, {transform_indices = #map1}, {transform_indices = #map1}, {transform_indices = #map}]} {
    %mul3A = arith.constant 2 : i32
    %mul3A_0 = arith.muli %arg1, %mul3A : i32
    %add3A = arith.addi %mul3A_0, %arg0 : i32
    %mul3A_1 = arith.constant 2560 : i32
    %mul3A_2 = arith.muli %add3A, %mul3A_1 : i32
    %mul3A_3 = arith.constant 128 : i32
    %mul3A_4 = arith.muli %add3A, %mul3A_3 : i32
    "tpu.region"() ({
      %run_scoped3A = tpu.sem_alloc : memref<!tpu.dma_semaphore, #tpu.memory_space<semaphore_mem>>
      %dma_start3A_422 = tpu.memref_slice %arg3[%mul3A_4] : memref<4096xi32, #tpu.memory_space<hbm>> -> memref<128xi32, #tpu.memory_space<hbm>>
      %dma_start3A_423 = tpu.memref_slice %arg3[%mul3A_4] : memref<4096xi32, #tpu.memory_space<hbm>> -> memref<128xi32, #tpu.memory_space<hbm>>
      tpu.enqueue_dma source(%dma_start3A_423 : memref<128xi32, #tpu.memory_space<hbm>>) target(%arg6 : memref<128xi32, #tpu.memory_space<vmem>>) target_semaphore(%run_scoped3A : memref<!tpu.dma_semaphore, #tpu.memory_space<semaphore_mem>>)
      %dma_wait3A_424 = tpu.memref_slice %arg3[%mul3A_4] : memref<4096xi32, #tpu.memory_space<hbm>> -> memref<128xi32, #tpu.memory_space<hbm>>
      %dma_wait3A_425 = tpu.memref_slice %arg3[%mul3A_4] : memref<4096xi32, #tpu.memory_space<hbm>> -> memref<128xi32, #tpu.memory_space<hbm>>
      tpu.wait_dma2 semaphore(%run_scoped3A : memref<!tpu.dma_semaphore, #tpu.memory_space<semaphore_mem>>) src(%dma_wait3A_425 : memref<128xi32, #tpu.memory_space<hbm>>) dst(%arg6 : memref<128xi32, #tpu.memory_space<vmem>>)
      tpu.yield
    }) : () -> ()
    "tpu.region"() ({
      %run_scoped3A = tpu.sem_alloc : memref<!tpu.dma_semaphore, #tpu.memory_space<semaphore_mem>>
      %dma_start3A_422 = tpu.memref_slice %arg4[%mul3A_2] : memref<81920xi32, #tpu.memory_space<hbm>> -> memref<2560xi32, #tpu.memory_space<hbm>>
      %dma_start3A_423 = tpu.memref_slice %arg4[%mul3A_2] : memref<81920xi32, #tpu.memory_space<hbm>> -> memref<2560xi32, #tpu.memory_space<hbm>>
      tpu.enqueue_dma source(%dma_start3A_423 : memref<2560xi32, #tpu.memory_space<hbm>>) target(%arg7 : memref<2560xi32, #tpu.memory_space<vmem>>) target_semaphore(%run_scoped3A : memref<!tpu.dma_semaphore, #tpu.memory_space<semaphore_mem>>)
      %dma_wait3A_424 = tpu.memref_slice %arg4[%mul3A_2] : memref<81920xi32, #tpu.memory_space<hbm>> -> memref<2560xi32, #tpu.memory_space<hbm>>
      %dma_wait3A_425 = tpu.memref_slice %arg4[%mul3A_2] : memref<81920xi32, #tpu.memory_space<hbm>> -> memref<2560xi32, #tpu.memory_space<hbm>>
      tpu.wait_dma2 semaphore(%run_scoped3A : memref<!tpu.dma_semaphore, #tpu.memory_space<semaphore_mem>>) src(%dma_wait3A_425 : memref<2560xi32, #tpu.memory_space<hbm>>) dst(%arg7 : memref<2560xi32, #tpu.memory_space<vmem>>)
      tpu.yield
    }) : () -> ()
    %iota3A = tpu.iota {dimensions = array<i32: 0>} : vector<16xi32>
    %broadcast_in_dim3A = arith.constant 3277 : i32
    %broadcast_in_dim3A_5 = vector.broadcast %broadcast_in_dim3A : i32 to vector<16xi32>
    %broadcast_in_dim3A_6 = arith.constant 16 : i32
    %broadcast_in_dim3A_7 = vector.broadcast %broadcast_in_dim3A_6 : i32 to vector<16xi32>
    %broadcast_in_dim3A_8 = arith.constant 20 : i32
    %broadcast_in_dim3A_9 = vector.broadcast %broadcast_in_dim3A_8 : i32 to vector<16xi32>
    %broadcast_in_dim3A_10 = arith.constant 16 : i32
    %broadcast_in_dim3A_11 = vector.broadcast %broadcast_in_dim3A_10 : i32 to vector<16xi32>
    %scan3A = arith.constant 0 : i32
    %scan3A_12 = arith.constant 160 : i32
    %scan3A_13 = arith.addi %scan3A, %scan3A_12 : i32
    %scan3A_14 = arith.constant 1 : i32
    %scan3A_15 = scf.for %scan3A_422 = %scan3A to %scan3A_13 step %scan3A_14 iter_args(%scan3A_423 = %iota3A) -> (vector<16xi32>)  : i32 {
      %mul3A_424 = arith.constant 1 : i32
      %mul3A_425 = arith.muli %scan3A_422, %mul3A_424 : i32
      %add3A_426 = arith.constant 0 : i32
      %add3A_427 = arith.addi %add3A_426, %mul3A_425 : i32
      %mul3A_428 = arith.muli %scan3A_423, %broadcast_in_dim3A_5 : vector<16xi32>
      %shift_right_logical3A = arith.shrui %mul3A_428, %broadcast_in_dim3A_7 : vector<16xi32>
      %gather3A = tpu.vector_load_idx %arg6[%shift_right_logical3A] : memref<128xi32, #tpu.memory_space<vmem>>[vector<16xi32>], vector<16xi32>,
      %mul3A_429 = arith.constant 16 : i32
      %mul3A_430 = arith.muli %add3A_427, %mul3A_429 : i32
      %get3A = arith.index_cast %mul3A_430 : i32 to index
      %get3A_431 = tpu.vector_load %arg7[%get3A] {strides = array<i32>} : memref<2560xi32, #tpu.memory_space<vmem>>, vector<16xi32>,
      %jit3A = arith.constant 8 : i32
      %div3A = arith.divsi %add3A_427, %jit3A : i32
      %sign3A = arith.constant 0 : i32
      %sign3A_432 = arith.cmpi sgt, %add3A_427, %sign3A : i32
      %sign3A_433 = arith.extui %sign3A_432 : i1 to i32
      %sign3A_434 = arith.constant 0 : i32
      %sign3A_435 = arith.cmpi slt, %add3A_427, %sign3A_434 : i32
      %sign3A_436 = arith.extui %sign3A_435 : i1 to i32
      %sign3A_437 = arith.subi %sign3A_433, %sign3A_436 : i32
      %sign3A_438 = arith.constant 0 : i32
      %sign3A_439 = arith.cmpi sgt, %jit3A, %sign3A_438 : i32
      %sign3A_440 = arith.extui %sign3A_439 : i1 to i32
      %sign3A_441 = arith.constant 0 : i32
      %sign3A_442 = arith.cmpi slt, %jit3A, %sign3A_441 : i32
      %sign3A_443 = arith.extui %sign3A_442 : i1 to i32
      %sign3A_444 = arith.subi %sign3A_440, %sign3A_443 : i32
      %ne3A = arith.cmpi ne, %sign3A_437, %sign3A_444 : i32
      %rem3A = arith.remsi %add3A_427, %jit3A : i32
      %ne3A_445 = arith.constant 0 : i32
      %ne3A_446 = arith.cmpi ne, %rem3A, %ne3A_445 : i32
      %and3A = arith.andi %ne3A, %ne3A_446 : i1
      %sub3A = arith.constant 1 : i32
      %sub3A_447 = arith.subi %div3A, %sub3A : i32
      %select_n3A = arith.select %and3A, %sub3A_447, %div3A : i32
      %jit3A_448 = arith.constant 8 : i32
      %eq3A = arith.constant 0 : i32
      %eq3A_449 = arith.cmpi eq, %jit3A_448, %eq3A : i32
      %jit3A_450 = arith.constant 1 : i32
      %select_n3A_451 = arith.select %eq3A_449, %jit3A_450, %jit3A_448 : i32
      %rem3A_452 = arith.remsi %add3A_427, %select_n3A_451 : i32
      %ne3A_453 = arith.constant 0 : i32
      %ne3A_454 = arith.cmpi ne, %rem3A_452, %ne3A_453 : i32
      %lt3A = arith.constant 0 : i32
      %lt3A_455 = arith.cmpi slt, %rem3A_452, %lt3A : i32
      %lt3A_456 = arith.constant 0 : i32
      %lt3A_457 = arith.cmpi slt, %select_n3A_451, %lt3A_456 : i32
      %ne3A_458 = arith.xori %lt3A_455, %lt3A_457 : i1
      %and3A_459 = arith.andi %ne3A_458, %ne3A_454 : i1
      %add3A_460 = arith.addi %rem3A_452, %select_n3A_451 : i32
      %select_n3A_461 = arith.select %and3A_459, %add3A_460, %rem3A_452 : i32
      %mul3A_462 = arith.constant 16 : i32
      %mul3A_463 = arith.muli %select_n3A_461, %mul3A_462 : i32
      %mul3A_464 = arith.muli %gather3A, %broadcast_in_dim3A_9 : vector<16xi32>
      %add3A_465 = arith.addi %mul3A_464, %get3A_431 : vector<16xi32>
      %swap3A = arith.index_cast %select_n3A : i32 to index
      %swap3A_466 = arith.index_cast %mul3A_463 : i32 to index
      %swap3A_467 = tpu.vector_load %arg8[%swap3A, %swap3A_466] {strides = array<i32>} : memref<20x128xi32, #tpu.memory_space<vmem>>, vector<16xi32>,
      tpu.vector_store %arg8[%swap3A, %swap3A_466], %add3A_465 {strides = array<i32>} : memref<20x128xi32, #tpu.memory_space<vmem>>, vector<16xi32>,
      %add3A_468 = arith.addi %scan3A_423, %broadcast_in_dim3A_11 : vector<16xi32>
      scf.yield %add3A_468 : vector<16xi32>
    }
    %scan3A_16 = arith.constant 160 : i32
    %dma_start3A = arith.constant 0 : i32
    %dma_start3A_17 = arith.constant 0 : i32
    %dma_start3A_18 = arith.constant 0 : i32
    %dma_start3A_19 = tpu.memref_slice %arg9[%dma_start3A_17, %dma_start3A_18] : memref<2560x32xf32, #tpu.memory_space<vmem>> -> memref<128x32xf32, #tpu.memory_space<vmem>>
    %dma_start3A_20 = arith.constant 0 : i32
    %dma_start3A_21 = tpu.memref_slice %arg8[%dma_start3A, %dma_start3A_20] : memref<20x128xi32, #tpu.memory_space<vmem>> -> memref<1x128xi32, #tpu.memory_space<vmem>>
    %dma_start3A_22 = tpu.memref_squeeze %dma_start3A_21 : memref<1x128xi32, #tpu.memory_space<vmem>> -> memref<128xi32, #tpu.memory_space<vmem>>
    %dma_start3A_23 = arith.constant 0 : i32
    %dma_start3A_24 = arith.constant 0 : i32
    %dma_start3A_25 = tpu.memref_slice %arg2[%dma_start3A_23, %dma_start3A_24] : memref<2000000x32xf32, #tpu.memory_space<hbm>> -> memref<2000000x32xf32, #tpu.memory_space<hbm>>
    tpu.enqueue_indirect_dma source(%dma_start3A_25 : memref<2000000x32xf32, #tpu.memory_space<hbm>>) target(%dma_start3A_19 : memref<128x32xf32, #tpu.memory_space<vmem>>) offsets(%dma_start3A_22 : memref<128xi32, #tpu.memory_space<vmem>>) semaphore(%arg10 : memref<!tpu.dma_semaphore, #tpu.memory_space<semaphore_mem>>)
    %dma_start3A_26 = arith.constant 1 : i32
    %dma_start3A_27 = arith.constant 128 : i32
    %dma_start3A_28 = arith.constant 0 : i32
    %dma_start3A_29 = tpu.memref_slice %arg9[%dma_start3A_27, %dma_start3A_28] : memref<2560x32xf32, #tpu.memory_space<vmem>> -> memref<128x32xf32, #tpu.memory_space<vmem>>
    %dma_start3A_30 = arith.constant 0 : i32
    %dma_start3A_31 = tpu.memref_slice %arg8[%dma_start3A_26, %dma_start3A_30] : memref<20x128xi32, #tpu.memory_space<vmem>> -> memref<1x128xi32, #tpu.memory_space<vmem>>
    %dma_start3A_32 = tpu.memref_squeeze %dma_start3A_31 : memref<1x128xi32, #tpu.memory_space<vmem>> -> memref<128xi32, #tpu.memory_space<vmem>>
    %dma_start3A_33 = arith.constant 0 : i32
    %dma_start3A_34 = arith.constant 0 : i32
    %dma_start3A_35 = tpu.memref_slice %arg2[%dma_start3A_33, %dma_start3A_34] : memref<2000000x32xf32, #tpu.memory_space<hbm>> -> memref<2000000x32xf32, #tpu.memory_space<hbm>>
    tpu.enqueue_indirect_dma source(%dma_start3A_35 : memref<2000000x32xf32, #tpu.memory_space<hbm>>) target(%dma_start3A_29 : memref<128x32xf32, #tpu.memory_space<vmem>>) offsets(%dma_start3A_32 : memref<128xi32, #tpu.memory_space<vmem>>) semaphore(%arg10 : memref<!tpu.dma_semaphore, #tpu.memory_space<semaphore_mem>>)
    %dma_start3A_36 = arith.constant 2 : i32
    %dma_start3A_37 = arith.constant 256 : i32
    %dma_start3A_38 = arith.constant 0 : i32
    %dma_start3A_39 = tpu.memref_slice %arg9[%dma_start3A_37, %dma_start3A_38] : memref<2560x32xf32, #tpu.memory_space<vmem>> -> memref<128x32xf32, #tpu.memory_space<vmem>>
    %dma_start3A_40 = arith.constant 0 : i32
    %dma_start3A_41 = tpu.memref_slice %arg8[%dma_start3A_36, %dma_start3A_40] : memref<20x128xi32, #tpu.memory_space<vmem>> -> memref<1x128xi32, #tpu.memory_space<vmem>>
    %dma_start3A_42 = tpu.memref_squeeze %dma_start3A_41 : memref<1x128xi32, #tpu.memory_space<vmem>> -> memref<128xi32, #tpu.memory_space<vmem>>
    %dma_start3A_43 = arith.constant 0 : i32
    %dma_start3A_44 = arith.constant 0 : i32
    %dma_start3A_45 = tpu.memref_slice %arg2[%dma_start3A_43, %dma_start3A_44] : memref<2000000x32xf32, #tpu.memory_space<hbm>> -> memref<2000000x32xf32, #tpu.memory_space<hbm>>
    tpu.enqueue_indirect_dma source(%dma_start3A_45 : memref<2000000x32xf32, #tpu.memory_space<hbm>>) target(%dma_start3A_39 : memref<128x32xf32, #tpu.memory_space<vmem>>) offsets(%dma_start3A_42 : memref<128xi32, #tpu.memory_space<vmem>>) semaphore(%arg10 : memref<!tpu.dma_semaphore, #tpu.memory_space<semaphore_mem>>)
    %dma_start3A_46 = arith.constant 3 : i32
    %dma_start3A_47 = arith.constant 384 : i32
    %dma_start3A_48 = arith.constant 0 : i32
    %dma_start3A_49 = tpu.memref_slice %arg9[%dma_start3A_47, %dma_start3A_48] : memref<2560x32xf32, #tpu.memory_space<vmem>> -> memref<128x32xf32, #tpu.memory_space<vmem>>
    %dma_start3A_50 = arith.constant 0 : i32
    %dma_start3A_51 = tpu.memref_slice %arg8[%dma_start3A_46, %dma_start3A_50] : memref<20x128xi32, #tpu.memory_space<vmem>> -> memref<1x128xi32, #tpu.memory_space<vmem>>
    %dma_start3A_52 = tpu.memref_squeeze %dma_start3A_51 : memref<1x128xi32, #tpu.memory_space<vmem>> -> memref<128xi32, #tpu.memory_space<vmem>>
    %dma_start3A_53 = arith.constant 0 : i32
    %dma_start3A_54 = arith.constant 0 : i32
    %dma_start3A_55 = tpu.memref_slice %arg2[%dma_start3A_53, %dma_start3A_54] : memref<2000000x32xf32, #tpu.memory_space<hbm>> -> memref<2000000x32xf32, #tpu.memory_space<hbm>>
    tpu.enqueue_indirect_dma source(%dma_start3A_55 : memref<2000000x32xf32, #tpu.memory_space<hbm>>) target(%dma_start3A_49 : memref<128x32xf32, #tpu.memory_space<vmem>>) offsets(%dma_start3A_52 : memref<128xi32, #tpu.memory_space<vmem>>) semaphore(%arg10 : memref<!tpu.dma_semaphore, #tpu.memory_space<semaphore_mem>>)
    %dma_start3A_56 = arith.constant 4 : i32
    %dma_start3A_57 = arith.constant 512 : i32
    %dma_start3A_58 = arith.constant 0 : i32
    %dma_start3A_59 = tpu.memref_slice %arg9[%dma_start3A_57, %dma_start3A_58] : memref<2560x32xf32, #tpu.memory_space<vmem>> -> memref<128x32xf32, #tpu.memory_space<vmem>>
    %dma_start3A_60 = arith.constant 0 : i32
    %dma_start3A_61 = tpu.memref_slice %arg8[%dma_start3A_56, %dma_start3A_60] : memref<20x128xi32, #tpu.memory_space<vmem>> -> memref<1x128xi32, #tpu.memory_space<vmem>>
    %dma_start3A_62 = tpu.memref_squeeze %dma_start3A_61 : memref<1x128xi32, #tpu.memory_space<vmem>> -> memref<128xi32, #tpu.memory_space<vmem>>
    %dma_start3A_63 = arith.constant 0 : i32
    %dma_start3A_64 = arith.constant 0 : i32
    %dma_start3A_65 = tpu.memref_slice %arg2[%dma_start3A_63, %dma_start3A_64] : memref<2000000x32xf32, #tpu.memory_space<hbm>> -> memref<2000000x32xf32, #tpu.memory_space<hbm>>
    tpu.enqueue_indirect_dma source(%dma_start3A_65 : memref<2000000x32xf32, #tpu.memory_space<hbm>>) target(%dma_start3A_59 : memref<128x32xf32, #tpu.memory_space<vmem>>) offsets(%dma_start3A_62 : memref<128xi32, #tpu.memory_space<vmem>>) semaphore(%arg10 : memref<!tpu.dma_semaphore, #tpu.memory_space<semaphore_mem>>)
    %dma_start3A_66 = arith.constant 5 : i32
    %dma_start3A_67 = arith.constant 640 : i32
    %dma_start3A_68 = arith.constant 0 : i32
    %dma_start3A_69 = tpu.memref_slice %arg9[%dma_start3A_67, %dma_start3A_68] : memref<2560x32xf32, #tpu.memory_space<vmem>> -> memref<128x32xf32, #tpu.memory_space<vmem>>
    %dma_start3A_70 = arith.constant 0 : i32
    %dma_start3A_71 = tpu.memref_slice %arg8[%dma_start3A_66, %dma_start3A_70] : memref<20x128xi32, #tpu.memory_space<vmem>> -> memref<1x128xi32, #tpu.memory_space<vmem>>
    %dma_start3A_72 = tpu.memref_squeeze %dma_start3A_71 : memref<1x128xi32, #tpu.memory_space<vmem>> -> memref<128xi32, #tpu.memory_space<vmem>>
    %dma_start3A_73 = arith.constant 0 : i32
    %dma_start3A_74 = arith.constant 0 : i32
    %dma_start3A_75 = tpu.memref_slice %arg2[%dma_start3A_73, %dma_start3A_74] : memref<2000000x32xf32, #tpu.memory_space<hbm>> -> memref<2000000x32xf32, #tpu.memory_space<hbm>>
    tpu.enqueue_indirect_dma source(%dma_start3A_75 : memref<2000000x32xf32, #tpu.memory_space<hbm>>) target(%dma_start3A_69 : memref<128x32xf32, #tpu.memory_space<vmem>>) offsets(%dma_start3A_72 : memref<128xi32, #tpu.memory_space<vmem>>) semaphore(%arg10 : memref<!tpu.dma_semaphore, #tpu.memory_space<semaphore_mem>>)
    %dma_start3A_76 = arith.constant 6 : i32
    %dma_start3A_77 = arith.constant 768 : i32
    %dma_start3A_78 = arith.constant 0 : i32
    %dma_start3A_79 = tpu.memref_slice %arg9[%dma_start3A_77, %dma_start3A_78] : memref<2560x32xf32, #tpu.memory_space<vmem>> -> memref<128x32xf32, #tpu.memory_space<vmem>>
    %dma_start3A_80 = arith.constant 0 : i32
    %dma_start3A_81 = tpu.memref_slice %arg8[%dma_start3A_76, %dma_start3A_80] : memref<20x128xi32, #tpu.memory_space<vmem>> -> memref<1x128xi32, #tpu.memory_space<vmem>>
    %dma_start3A_82 = tpu.memref_squeeze %dma_start3A_81 : memref<1x128xi32, #tpu.memory_space<vmem>> -> memref<128xi32, #tpu.memory_space<vmem>>
    %dma_start3A_83 = arith.constant 0 : i32
    %dma_start3A_84 = arith.constant 0 : i32
    %dma_start3A_85 = tpu.memref_slice %arg2[%dma_start3A_83, %dma_start3A_84] : memref<2000000x32xf32, #tpu.memory_space<hbm>> -> memref<2000000x32xf32, #tpu.memory_space<hbm>>
    tpu.enqueue_indirect_dma source(%dma_start3A_85 : memref<2000000x32xf32, #tpu.memory_space<hbm>>) target(%dma_start3A_79 : memref<128x32xf32, #tpu.memory_space<vmem>>) offsets(%dma_start3A_82 : memref<128xi32, #tpu.memory_space<vmem>>) semaphore(%arg10 : memref<!tpu.dma_semaphore, #tpu.memory_space<semaphore_mem>>)
    %dma_start3A_86 = arith.constant 7 : i32
    %dma_start3A_87 = arith.constant 896 : i32
    %dma_start3A_88 = arith.constant 0 : i32
    %dma_start3A_89 = tpu.memref_slice %arg9[%dma_start3A_87, %dma_start3A_88] : memref<2560x32xf32, #tpu.memory_space<vmem>> -> memref<128x32xf32, #tpu.memory_space<vmem>>
    %dma_start3A_90 = arith.constant 0 : i32
    %dma_start3A_91 = tpu.memref_slice %arg8[%dma_start3A_86, %dma_start3A_90] : memref<20x128xi32, #tpu.memory_space<vmem>> -> memref<1x128xi32, #tpu.memory_space<vmem>>
    %dma_start3A_92 = tpu.memref_squeeze %dma_start3A_91 : memref<1x128xi32, #tpu.memory_space<vmem>> -> memref<128xi32, #tpu.memory_space<vmem>>
    %dma_start3A_93 = arith.constant 0 : i32
    %dma_start3A_94 = arith.constant 0 : i32
    %dma_start3A_95 = tpu.memref_slice %arg2[%dma_start3A_93, %dma_start3A_94] : memref<2000000x32xf32, #tpu.memory_space<hbm>> -> memref<2000000x32xf32, #tpu.memory_space<hbm>>
    tpu.enqueue_indirect_dma source(%dma_start3A_95 : memref<2000000x32xf32, #tpu.memory_space<hbm>>) target(%dma_start3A_89 : memref<128x32xf32, #tpu.memory_space<vmem>>) offsets(%dma_start3A_92 : memref<128xi32, #tpu.memory_space<vmem>>) semaphore(%arg10 : memref<!tpu.dma_semaphore, #tpu.memory_space<semaphore_mem>>)
    %dma_start3A_96 = arith.constant 8 : i32
    %dma_start3A_97 = arith.constant 1024 : i32
    %dma_start3A_98 = arith.constant 0 : i32
    %dma_start3A_99 = tpu.memref_slice %arg9[%dma_start3A_97, %dma_start3A_98] : memref<2560x32xf32, #tpu.memory_space<vmem>> -> memref<128x32xf32, #tpu.memory_space<vmem>>
    %dma_start3A_100 = arith.constant 0 : i32
    %dma_start3A_101 = tpu.memref_slice %arg8[%dma_start3A_96, %dma_start3A_100] : memref<20x128xi32, #tpu.memory_space<vmem>> -> memref<1x128xi32, #tpu.memory_space<vmem>>
    %dma_start3A_102 = tpu.memref_squeeze %dma_start3A_101 : memref<1x128xi32, #tpu.memory_space<vmem>> -> memref<128xi32, #tpu.memory_space<vmem>>
    %dma_start3A_103 = arith.constant 0 : i32
    %dma_start3A_104 = arith.constant 0 : i32
    %dma_start3A_105 = tpu.memref_slice %arg2[%dma_start3A_103, %dma_start3A_104] : memref<2000000x32xf32, #tpu.memory_space<hbm>> -> memref<2000000x32xf32, #tpu.memory_space<hbm>>
    tpu.enqueue_indirect_dma source(%dma_start3A_105 : memref<2000000x32xf32, #tpu.memory_space<hbm>>) target(%dma_start3A_99 : memref<128x32xf32, #tpu.memory_space<vmem>>) offsets(%dma_start3A_102 : memref<128xi32, #tpu.memory_space<vmem>>) semaphore(%arg10 : memref<!tpu.dma_semaphore, #tpu.memory_space<semaphore_mem>>)
    %dma_start3A_106 = arith.constant 9 : i32
    %dma_start3A_107 = arith.constant 1152 : i32
    %dma_start3A_108 = arith.constant 0 : i32
    %dma_start3A_109 = tpu.memref_slice %arg9[%dma_start3A_107, %dma_start3A_108] : memref<2560x32xf32, #tpu.memory_space<vmem>> -> memref<128x32xf32, #tpu.memory_space<vmem>>
    %dma_start3A_110 = arith.constant 0 : i32
    %dma_start3A_111 = tpu.memref_slice %arg8[%dma_start3A_106, %dma_start3A_110] : memref<20x128xi32, #tpu.memory_space<vmem>> -> memref<1x128xi32, #tpu.memory_space<vmem>>
    %dma_start3A_112 = tpu.memref_squeeze %dma_start3A_111 : memref<1x128xi32, #tpu.memory_space<vmem>> -> memref<128xi32, #tpu.memory_space<vmem>>
    %dma_start3A_113 = arith.constant 0 : i32
    %dma_start3A_114 = arith.constant 0 : i32
    %dma_start3A_115 = tpu.memref_slice %arg2[%dma_start3A_113, %dma_start3A_114] : memref<2000000x32xf32, #tpu.memory_space<hbm>> -> memref<2000000x32xf32, #tpu.memory_space<hbm>>
    tpu.enqueue_indirect_dma source(%dma_start3A_115 : memref<2000000x32xf32, #tpu.memory_space<hbm>>) target(%dma_start3A_109 : memref<128x32xf32, #tpu.memory_space<vmem>>) offsets(%dma_start3A_112 : memref<128xi32, #tpu.memory_space<vmem>>) semaphore(%arg10 : memref<!tpu.dma_semaphore, #tpu.memory_space<semaphore_mem>>)
    %dma_start3A_116 = arith.constant 10 : i32
    %dma_start3A_117 = arith.constant 1280 : i32
    %dma_start3A_118 = arith.constant 0 : i32
    %dma_start3A_119 = tpu.memref_slice %arg9[%dma_start3A_117, %dma_start3A_118] : memref<2560x32xf32, #tpu.memory_space<vmem>> -> memref<128x32xf32, #tpu.memory_space<vmem>>
    %dma_start3A_120 = arith.constant 0 : i32
    %dma_start3A_121 = tpu.memref_slice %arg8[%dma_start3A_116, %dma_start3A_120] : memref<20x128xi32, #tpu.memory_space<vmem>> -> memref<1x128xi32, #tpu.memory_space<vmem>>
    %dma_start3A_122 = tpu.memref_squeeze %dma_start3A_121 : memref<1x128xi32, #tpu.memory_space<vmem>> -> memref<128xi32, #tpu.memory_space<vmem>>
    %dma_start3A_123 = arith.constant 0 : i32
    %dma_start3A_124 = arith.constant 0 : i32
    %dma_start3A_125 = tpu.memref_slice %arg2[%dma_start3A_123, %dma_start3A_124] : memref<2000000x32xf32, #tpu.memory_space<hbm>> -> memref<2000000x32xf32, #tpu.memory_space<hbm>>
    tpu.enqueue_indirect_dma source(%dma_start3A_125 : memref<2000000x32xf32, #tpu.memory_space<hbm>>) target(%dma_start3A_119 : memref<128x32xf32, #tpu.memory_space<vmem>>) offsets(%dma_start3A_122 : memref<128xi32, #tpu.memory_space<vmem>>) semaphore(%arg10 : memref<!tpu.dma_semaphore, #tpu.memory_space<semaphore_mem>>)
    %dma_start3A_126 = arith.constant 11 : i32
    %dma_start3A_127 = arith.constant 1408 : i32
    %dma_start3A_128 = arith.constant 0 : i32
    %dma_start3A_129 = tpu.memref_slice %arg9[%dma_start3A_127, %dma_start3A_128] : memref<2560x32xf32, #tpu.memory_space<vmem>> -> memref<128x32xf32, #tpu.memory_space<vmem>>
    %dma_start3A_130 = arith.constant 0 : i32
    %dma_start3A_131 = tpu.memref_slice %arg8[%dma_start3A_126, %dma_start3A_130] : memref<20x128xi32, #tpu.memory_space<vmem>> -> memref<1x128xi32, #tpu.memory_space<vmem>>
    %dma_start3A_132 = tpu.memref_squeeze %dma_start3A_131 : memref<1x128xi32, #tpu.memory_space<vmem>> -> memref<128xi32, #tpu.memory_space<vmem>>
    %dma_start3A_133 = arith.constant 0 : i32
    %dma_start3A_134 = arith.constant 0 : i32
    %dma_start3A_135 = tpu.memref_slice %arg2[%dma_start3A_133, %dma_start3A_134] : memref<2000000x32xf32, #tpu.memory_space<hbm>> -> memref<2000000x32xf32, #tpu.memory_space<hbm>>
    tpu.enqueue_indirect_dma source(%dma_start3A_135 : memref<2000000x32xf32, #tpu.memory_space<hbm>>) target(%dma_start3A_129 : memref<128x32xf32, #tpu.memory_space<vmem>>) offsets(%dma_start3A_132 : memref<128xi32, #tpu.memory_space<vmem>>) semaphore(%arg10 : memref<!tpu.dma_semaphore, #tpu.memory_space<semaphore_mem>>)
    %dma_start3A_136 = arith.constant 12 : i32
    %dma_start3A_137 = arith.constant 1536 : i32
    %dma_start3A_138 = arith.constant 0 : i32
    %dma_start3A_139 = tpu.memref_slice %arg9[%dma_start3A_137, %dma_start3A_138] : memref<2560x32xf32, #tpu.memory_space<vmem>> -> memref<128x32xf32, #tpu.memory_space<vmem>>
    %dma_start3A_140 = arith.constant 0 : i32
    %dma_start3A_141 = tpu.memref_slice %arg8[%dma_start3A_136, %dma_start3A_140] : memref<20x128xi32, #tpu.memory_space<vmem>> -> memref<1x128xi32, #tpu.memory_space<vmem>>
    %dma_start3A_142 = tpu.memref_squeeze %dma_start3A_141 : memref<1x128xi32, #tpu.memory_space<vmem>> -> memref<128xi32, #tpu.memory_space<vmem>>
    %dma_start3A_143 = arith.constant 0 : i32
    %dma_start3A_144 = arith.constant 0 : i32
    %dma_start3A_145 = tpu.memref_slice %arg2[%dma_start3A_143, %dma_start3A_144] : memref<2000000x32xf32, #tpu.memory_space<hbm>> -> memref<2000000x32xf32, #tpu.memory_space<hbm>>
    tpu.enqueue_indirect_dma source(%dma_start3A_145 : memref<2000000x32xf32, #tpu.memory_space<hbm>>) target(%dma_start3A_139 : memref<128x32xf32, #tpu.memory_space<vmem>>) offsets(%dma_start3A_142 : memref<128xi32, #tpu.memory_space<vmem>>) semaphore(%arg10 : memref<!tpu.dma_semaphore, #tpu.memory_space<semaphore_mem>>)
    %dma_start3A_146 = arith.constant 13 : i32
    %dma_start3A_147 = arith.constant 1664 : i32
    %dma_start3A_148 = arith.constant 0 : i32
    %dma_start3A_149 = tpu.memref_slice %arg9[%dma_start3A_147, %dma_start3A_148] : memref<2560x32xf32, #tpu.memory_space<vmem>> -> memref<128x32xf32, #tpu.memory_space<vmem>>
    %dma_start3A_150 = arith.constant 0 : i32
    %dma_start3A_151 = tpu.memref_slice %arg8[%dma_start3A_146, %dma_start3A_150] : memref<20x128xi32, #tpu.memory_space<vmem>> -> memref<1x128xi32, #tpu.memory_space<vmem>>
    %dma_start3A_152 = tpu.memref_squeeze %dma_start3A_151 : memref<1x128xi32, #tpu.memory_space<vmem>> -> memref<128xi32, #tpu.memory_space<vmem>>
    %dma_start3A_153 = arith.constant 0 : i32
    %dma_start3A_154 = arith.constant 0 : i32
    %dma_start3A_155 = tpu.memref_slice %arg2[%dma_start3A_153, %dma_start3A_154] : memref<2000000x32xf32, #tpu.memory_space<hbm>> -> memref<2000000x32xf32, #tpu.memory_space<hbm>>
    tpu.enqueue_indirect_dma source(%dma_start3A_155 : memref<2000000x32xf32, #tpu.memory_space<hbm>>) target(%dma_start3A_149 : memref<128x32xf32, #tpu.memory_space<vmem>>) offsets(%dma_start3A_152 : memref<128xi32, #tpu.memory_space<vmem>>) semaphore(%arg10 : memref<!tpu.dma_semaphore, #tpu.memory_space<semaphore_mem>>)
    %dma_start3A_156 = arith.constant 14 : i32
    %dma_start3A_157 = arith.constant 1792 : i32
    %dma_start3A_158 = arith.constant 0 : i32
    %dma_start3A_159 = tpu.memref_slice %arg9[%dma_start3A_157, %dma_start3A_158] : memref<2560x32xf32, #tpu.memory_space<vmem>> -> memref<128x32xf32, #tpu.memory_space<vmem>>
    %dma_start3A_160 = arith.constant 0 : i32
    %dma_start3A_161 = tpu.memref_slice %arg8[%dma_start3A_156, %dma_start3A_160] : memref<20x128xi32, #tpu.memory_space<vmem>> -> memref<1x128xi32, #tpu.memory_space<vmem>>
    %dma_start3A_162 = tpu.memref_squeeze %dma_start3A_161 : memref<1x128xi32, #tpu.memory_space<vmem>> -> memref<128xi32, #tpu.memory_space<vmem>>
    %dma_start3A_163 = arith.constant 0 : i32
    %dma_start3A_164 = arith.constant 0 : i32
    %dma_start3A_165 = tpu.memref_slice %arg2[%dma_start3A_163, %dma_start3A_164] : memref<2000000x32xf32, #tpu.memory_space<hbm>> -> memref<2000000x32xf32, #tpu.memory_space<hbm>>
    tpu.enqueue_indirect_dma source(%dma_start3A_165 : memref<2000000x32xf32, #tpu.memory_space<hbm>>) target(%dma_start3A_159 : memref<128x32xf32, #tpu.memory_space<vmem>>) offsets(%dma_start3A_162 : memref<128xi32, #tpu.memory_space<vmem>>) semaphore(%arg10 : memref<!tpu.dma_semaphore, #tpu.memory_space<semaphore_mem>>)
    %dma_start3A_166 = arith.constant 15 : i32
    %dma_start3A_167 = arith.constant 1920 : i32
    %dma_start3A_168 = arith.constant 0 : i32
    %dma_start3A_169 = tpu.memref_slice %arg9[%dma_start3A_167, %dma_start3A_168] : memref<2560x32xf32, #tpu.memory_space<vmem>> -> memref<128x32xf32, #tpu.memory_space<vmem>>
    %dma_start3A_170 = arith.constant 0 : i32
    %dma_start3A_171 = tpu.memref_slice %arg8[%dma_start3A_166, %dma_start3A_170] : memref<20x128xi32, #tpu.memory_space<vmem>> -> memref<1x128xi32, #tpu.memory_space<vmem>>
    %dma_start3A_172 = tpu.memref_squeeze %dma_start3A_171 : memref<1x128xi32, #tpu.memory_space<vmem>> -> memref<128xi32, #tpu.memory_space<vmem>>
    %dma_start3A_173 = arith.constant 0 : i32
    %dma_start3A_174 = arith.constant 0 : i32
    %dma_start3A_175 = tpu.memref_slice %arg2[%dma_start3A_173, %dma_start3A_174] : memref<2000000x32xf32, #tpu.memory_space<hbm>> -> memref<2000000x32xf32, #tpu.memory_space<hbm>>
    tpu.enqueue_indirect_dma source(%dma_start3A_175 : memref<2000000x32xf32, #tpu.memory_space<hbm>>) target(%dma_start3A_169 : memref<128x32xf32, #tpu.memory_space<vmem>>) offsets(%dma_start3A_172 : memref<128xi32, #tpu.memory_space<vmem>>) semaphore(%arg10 : memref<!tpu.dma_semaphore, #tpu.memory_space<semaphore_mem>>)
    %dma_start3A_176 = arith.constant 16 : i32
    %dma_start3A_177 = arith.constant 2048 : i32
    %dma_start3A_178 = arith.constant 0 : i32
    %dma_start3A_179 = tpu.memref_slice %arg9[%dma_start3A_177, %dma_start3A_178] : memref<2560x32xf32, #tpu.memory_space<vmem>> -> memref<128x32xf32, #tpu.memory_space<vmem>>
    %dma_start3A_180 = arith.constant 0 : i32
    %dma_start3A_181 = tpu.memref_slice %arg8[%dma_start3A_176, %dma_start3A_180] : memref<20x128xi32, #tpu.memory_space<vmem>> -> memref<1x128xi32, #tpu.memory_space<vmem>>
    %dma_start3A_182 = tpu.memref_squeeze %dma_start3A_181 : memref<1x128xi32, #tpu.memory_space<vmem>> -> memref<128xi32, #tpu.memory_space<vmem>>
    %dma_start3A_183 = arith.constant 0 : i32
    %dma_start3A_184 = arith.constant 0 : i32
    %dma_start3A_185 = tpu.memref_slice %arg2[%dma_start3A_183, %dma_start3A_184] : memref<2000000x32xf32, #tpu.memory_space<hbm>> -> memref<2000000x32xf32, #tpu.memory_space<hbm>>
    tpu.enqueue_indirect_dma source(%dma_start3A_185 : memref<2000000x32xf32, #tpu.memory_space<hbm>>) target(%dma_start3A_179 : memref<128x32xf32, #tpu.memory_space<vmem>>) offsets(%dma_start3A_182 : memref<128xi32, #tpu.memory_space<vmem>>) semaphore(%arg10 : memref<!tpu.dma_semaphore, #tpu.memory_space<semaphore_mem>>)
    %dma_start3A_186 = arith.constant 17 : i32
    %dma_start3A_187 = arith.constant 2176 : i32
    %dma_start3A_188 = arith.constant 0 : i32
    %dma_start3A_189 = tpu.memref_slice %arg9[%dma_start3A_187, %dma_start3A_188] : memref<2560x32xf32, #tpu.memory_space<vmem>> -> memref<128x32xf32, #tpu.memory_space<vmem>>
    %dma_start3A_190 = arith.constant 0 : i32
    %dma_start3A_191 = tpu.memref_slice %arg8[%dma_start3A_186, %dma_start3A_190] : memref<20x128xi32, #tpu.memory_space<vmem>> -> memref<1x128xi32, #tpu.memory_space<vmem>>
    %dma_start3A_192 = tpu.memref_squeeze %dma_start3A_191 : memref<1x128xi32, #tpu.memory_space<vmem>> -> memref<128xi32, #tpu.memory_space<vmem>>
    %dma_start3A_193 = arith.constant 0 : i32
    %dma_start3A_194 = arith.constant 0 : i32
    %dma_start3A_195 = tpu.memref_slice %arg2[%dma_start3A_193, %dma_start3A_194] : memref<2000000x32xf32, #tpu.memory_space<hbm>> -> memref<2000000x32xf32, #tpu.memory_space<hbm>>
    tpu.enqueue_indirect_dma source(%dma_start3A_195 : memref<2000000x32xf32, #tpu.memory_space<hbm>>) target(%dma_start3A_189 : memref<128x32xf32, #tpu.memory_space<vmem>>) offsets(%dma_start3A_192 : memref<128xi32, #tpu.memory_space<vmem>>) semaphore(%arg10 : memref<!tpu.dma_semaphore, #tpu.memory_space<semaphore_mem>>)
    %dma_start3A_196 = arith.constant 18 : i32
    %dma_start3A_197 = arith.constant 2304 : i32
    %dma_start3A_198 = arith.constant 0 : i32
    %dma_start3A_199 = tpu.memref_slice %arg9[%dma_start3A_197, %dma_start3A_198] : memref<2560x32xf32, #tpu.memory_space<vmem>> -> memref<128x32xf32, #tpu.memory_space<vmem>>
    %dma_start3A_200 = arith.constant 0 : i32
    %dma_start3A_201 = tpu.memref_slice %arg8[%dma_start3A_196, %dma_start3A_200] : memref<20x128xi32, #tpu.memory_space<vmem>> -> memref<1x128xi32, #tpu.memory_space<vmem>>
    %dma_start3A_202 = tpu.memref_squeeze %dma_start3A_201 : memref<1x128xi32, #tpu.memory_space<vmem>> -> memref<128xi32, #tpu.memory_space<vmem>>
    %dma_start3A_203 = arith.constant 0 : i32
    %dma_start3A_204 = arith.constant 0 : i32
    %dma_start3A_205 = tpu.memref_slice %arg2[%dma_start3A_203, %dma_start3A_204] : memref<2000000x32xf32, #tpu.memory_space<hbm>> -> memref<2000000x32xf32, #tpu.memory_space<hbm>>
    tpu.enqueue_indirect_dma source(%dma_start3A_205 : memref<2000000x32xf32, #tpu.memory_space<hbm>>) target(%dma_start3A_199 : memref<128x32xf32, #tpu.memory_space<vmem>>) offsets(%dma_start3A_202 : memref<128xi32, #tpu.memory_space<vmem>>) semaphore(%arg10 : memref<!tpu.dma_semaphore, #tpu.memory_space<semaphore_mem>>)
    %dma_start3A_206 = arith.constant 19 : i32
    %dma_start3A_207 = arith.constant 2432 : i32
    %dma_start3A_208 = arith.constant 0 : i32
    %dma_start3A_209 = tpu.memref_slice %arg9[%dma_start3A_207, %dma_start3A_208] : memref<2560x32xf32, #tpu.memory_space<vmem>> -> memref<128x32xf32, #tpu.memory_space<vmem>>
    %dma_start3A_210 = arith.constant 0 : i32
    %dma_start3A_211 = tpu.memref_slice %arg8[%dma_start3A_206, %dma_start3A_210] : memref<20x128xi32, #tpu.memory_space<vmem>> -> memref<1x128xi32, #tpu.memory_space<vmem>>
    %dma_start3A_212 = tpu.memref_squeeze %dma_start3A_211 : memref<1x128xi32, #tpu.memory_space<vmem>> -> memref<128xi32, #tpu.memory_space<vmem>>
    %dma_start3A_213 = arith.constant 0 : i32
    %dma_start3A_214 = arith.constant 0 : i32
    %dma_start3A_215 = tpu.memref_slice %arg2[%dma_start3A_213, %dma_start3A_214] : memref<2000000x32xf32, #tpu.memory_space<hbm>> -> memref<2000000x32xf32, #tpu.memory_space<hbm>>
    tpu.enqueue_indirect_dma source(%dma_start3A_215 : memref<2000000x32xf32, #tpu.memory_space<hbm>>) target(%dma_start3A_209 : memref<128x32xf32, #tpu.memory_space<vmem>>) offsets(%dma_start3A_212 : memref<128xi32, #tpu.memory_space<vmem>>) semaphore(%arg10 : memref<!tpu.dma_semaphore, #tpu.memory_space<semaphore_mem>>)
    %dma_wait3A = arith.constant 0 : i32
    %dma_wait3A_216 = arith.constant 0 : i32
    %dma_wait3A_217 = arith.constant 0 : i32
    %dma_wait3A_218 = tpu.memref_slice %arg9[%dma_wait3A_216, %dma_wait3A_217] : memref<2560x32xf32, #tpu.memory_space<vmem>> -> memref<128x32xf32, #tpu.memory_space<vmem>>
    %dma_wait3A_219 = arith.constant 0 : i32
    %dma_wait3A_220 = tpu.memref_slice %arg8[%dma_wait3A, %dma_wait3A_219] : memref<20x128xi32, #tpu.memory_space<vmem>> -> memref<1x128xi32, #tpu.memory_space<vmem>>
    %dma_wait3A_221 = tpu.memref_squeeze %dma_wait3A_220 : memref<1x128xi32, #tpu.memory_space<vmem>> -> memref<128xi32, #tpu.memory_space<vmem>>
    %dma_wait3A_222 = arith.constant 0 : i32
    %dma_wait3A_223 = arith.constant 0 : i32
    %dma_wait3A_224 = tpu.memref_slice %arg2[%dma_wait3A_222, %dma_wait3A_223] : memref<2000000x32xf32, #tpu.memory_space<hbm>> -> memref<2000000x32xf32, #tpu.memory_space<hbm>>
    tpu.wait_indirect_dma semaphore(%arg10 : memref<!tpu.dma_semaphore, #tpu.memory_space<semaphore_mem>>) src(%dma_wait3A_224 : memref<2000000x32xf32, #tpu.memory_space<hbm>>) dst(%dma_wait3A_218 : memref<128x32xf32, #tpu.memory_space<vmem>>)
    %dma_wait3A_225 = arith.constant 1 : i32
    %dma_wait3A_226 = arith.constant 128 : i32
    %dma_wait3A_227 = arith.constant 0 : i32
    %dma_wait3A_228 = tpu.memref_slice %arg9[%dma_wait3A_226, %dma_wait3A_227] : memref<2560x32xf32, #tpu.memory_space<vmem>> -> memref<128x32xf32, #tpu.memory_space<vmem>>
    %dma_wait3A_229 = arith.constant 0 : i32
    %dma_wait3A_230 = tpu.memref_slice %arg8[%dma_wait3A_225, %dma_wait3A_229] : memref<20x128xi32, #tpu.memory_space<vmem>> -> memref<1x128xi32, #tpu.memory_space<vmem>>
    %dma_wait3A_231 = tpu.memref_squeeze %dma_wait3A_230 : memref<1x128xi32, #tpu.memory_space<vmem>> -> memref<128xi32, #tpu.memory_space<vmem>>
    %dma_wait3A_232 = arith.constant 0 : i32
    %dma_wait3A_233 = arith.constant 0 : i32
    %dma_wait3A_234 = tpu.memref_slice %arg2[%dma_wait3A_232, %dma_wait3A_233] : memref<2000000x32xf32, #tpu.memory_space<hbm>> -> memref<2000000x32xf32, #tpu.memory_space<hbm>>
    tpu.wait_indirect_dma semaphore(%arg10 : memref<!tpu.dma_semaphore, #tpu.memory_space<semaphore_mem>>) src(%dma_wait3A_234 : memref<2000000x32xf32, #tpu.memory_space<hbm>>) dst(%dma_wait3A_228 : memref<128x32xf32, #tpu.memory_space<vmem>>)
    %dma_wait3A_235 = arith.constant 2 : i32
    %dma_wait3A_236 = arith.constant 256 : i32
    %dma_wait3A_237 = arith.constant 0 : i32
    %dma_wait3A_238 = tpu.memref_slice %arg9[%dma_wait3A_236, %dma_wait3A_237] : memref<2560x32xf32, #tpu.memory_space<vmem>> -> memref<128x32xf32, #tpu.memory_space<vmem>>
    %dma_wait3A_239 = arith.constant 0 : i32
    %dma_wait3A_240 = tpu.memref_slice %arg8[%dma_wait3A_235, %dma_wait3A_239] : memref<20x128xi32, #tpu.memory_space<vmem>> -> memref<1x128xi32, #tpu.memory_space<vmem>>
    %dma_wait3A_241 = tpu.memref_squeeze %dma_wait3A_240 : memref<1x128xi32, #tpu.memory_space<vmem>> -> memref<128xi32, #tpu.memory_space<vmem>>
    %dma_wait3A_242 = arith.constant 0 : i32
    %dma_wait3A_243 = arith.constant 0 : i32
    %dma_wait3A_244 = tpu.memref_slice %arg2[%dma_wait3A_242, %dma_wait3A_243] : memref<2000000x32xf32, #tpu.memory_space<hbm>> -> memref<2000000x32xf32, #tpu.memory_space<hbm>>
    tpu.wait_indirect_dma semaphore(%arg10 : memref<!tpu.dma_semaphore, #tpu.memory_space<semaphore_mem>>) src(%dma_wait3A_244 : memref<2000000x32xf32, #tpu.memory_space<hbm>>) dst(%dma_wait3A_238 : memref<128x32xf32, #tpu.memory_space<vmem>>)
    %dma_wait3A_245 = arith.constant 3 : i32
    %dma_wait3A_246 = arith.constant 384 : i32
    %dma_wait3A_247 = arith.constant 0 : i32
    %dma_wait3A_248 = tpu.memref_slice %arg9[%dma_wait3A_246, %dma_wait3A_247] : memref<2560x32xf32, #tpu.memory_space<vmem>> -> memref<128x32xf32, #tpu.memory_space<vmem>>
    %dma_wait3A_249 = arith.constant 0 : i32
    %dma_wait3A_250 = tpu.memref_slice %arg8[%dma_wait3A_245, %dma_wait3A_249] : memref<20x128xi32, #tpu.memory_space<vmem>> -> memref<1x128xi32, #tpu.memory_space<vmem>>
    %dma_wait3A_251 = tpu.memref_squeeze %dma_wait3A_250 : memref<1x128xi32, #tpu.memory_space<vmem>> -> memref<128xi32, #tpu.memory_space<vmem>>
    %dma_wait3A_252 = arith.constant 0 : i32
    %dma_wait3A_253 = arith.constant 0 : i32
    %dma_wait3A_254 = tpu.memref_slice %arg2[%dma_wait3A_252, %dma_wait3A_253] : memref<2000000x32xf32, #tpu.memory_space<hbm>> -> memref<2000000x32xf32, #tpu.memory_space<hbm>>
    tpu.wait_indirect_dma semaphore(%arg10 : memref<!tpu.dma_semaphore, #tpu.memory_space<semaphore_mem>>) src(%dma_wait3A_254 : memref<2000000x32xf32, #tpu.memory_space<hbm>>) dst(%dma_wait3A_248 : memref<128x32xf32, #tpu.memory_space<vmem>>)
    %dma_wait3A_255 = arith.constant 4 : i32
    %dma_wait3A_256 = arith.constant 512 : i32
    %dma_wait3A_257 = arith.constant 0 : i32
    %dma_wait3A_258 = tpu.memref_slice %arg9[%dma_wait3A_256, %dma_wait3A_257] : memref<2560x32xf32, #tpu.memory_space<vmem>> -> memref<128x32xf32, #tpu.memory_space<vmem>>
    %dma_wait3A_259 = arith.constant 0 : i32
    %dma_wait3A_260 = tpu.memref_slice %arg8[%dma_wait3A_255, %dma_wait3A_259] : memref<20x128xi32, #tpu.memory_space<vmem>> -> memref<1x128xi32, #tpu.memory_space<vmem>>
    %dma_wait3A_261 = tpu.memref_squeeze %dma_wait3A_260 : memref<1x128xi32, #tpu.memory_space<vmem>> -> memref<128xi32, #tpu.memory_space<vmem>>
    %dma_wait3A_262 = arith.constant 0 : i32
    %dma_wait3A_263 = arith.constant 0 : i32
    %dma_wait3A_264 = tpu.memref_slice %arg2[%dma_wait3A_262, %dma_wait3A_263] : memref<2000000x32xf32, #tpu.memory_space<hbm>> -> memref<2000000x32xf32, #tpu.memory_space<hbm>>
    tpu.wait_indirect_dma semaphore(%arg10 : memref<!tpu.dma_semaphore, #tpu.memory_space<semaphore_mem>>) src(%dma_wait3A_264 : memref<2000000x32xf32, #tpu.memory_space<hbm>>) dst(%dma_wait3A_258 : memref<128x32xf32, #tpu.memory_space<vmem>>)
    %dma_wait3A_265 = arith.constant 5 : i32
    %dma_wait3A_266 = arith.constant 640 : i32
    %dma_wait3A_267 = arith.constant 0 : i32
    %dma_wait3A_268 = tpu.memref_slice %arg9[%dma_wait3A_266, %dma_wait3A_267] : memref<2560x32xf32, #tpu.memory_space<vmem>> -> memref<128x32xf32, #tpu.memory_space<vmem>>
    %dma_wait3A_269 = arith.constant 0 : i32
    %dma_wait3A_270 = tpu.memref_slice %arg8[%dma_wait3A_265, %dma_wait3A_269] : memref<20x128xi32, #tpu.memory_space<vmem>> -> memref<1x128xi32, #tpu.memory_space<vmem>>
    %dma_wait3A_271 = tpu.memref_squeeze %dma_wait3A_270 : memref<1x128xi32, #tpu.memory_space<vmem>> -> memref<128xi32, #tpu.memory_space<vmem>>
    %dma_wait3A_272 = arith.constant 0 : i32
    %dma_wait3A_273 = arith.constant 0 : i32
    %dma_wait3A_274 = tpu.memref_slice %arg2[%dma_wait3A_272, %dma_wait3A_273] : memref<2000000x32xf32, #tpu.memory_space<hbm>> -> memref<2000000x32xf32, #tpu.memory_space<hbm>>
    tpu.wait_indirect_dma semaphore(%arg10 : memref<!tpu.dma_semaphore, #tpu.memory_space<semaphore_mem>>) src(%dma_wait3A_274 : memref<2000000x32xf32, #tpu.memory_space<hbm>>) dst(%dma_wait3A_268 : memref<128x32xf32, #tpu.memory_space<vmem>>)
    %dma_wait3A_275 = arith.constant 6 : i32
    %dma_wait3A_276 = arith.constant 768 : i32
    %dma_wait3A_277 = arith.constant 0 : i32
    %dma_wait3A_278 = tpu.memref_slice %arg9[%dma_wait3A_276, %dma_wait3A_277] : memref<2560x32xf32, #tpu.memory_space<vmem>> -> memref<128x32xf32, #tpu.memory_space<vmem>>
    %dma_wait3A_279 = arith.constant 0 : i32
    %dma_wait3A_280 = tpu.memref_slice %arg8[%dma_wait3A_275, %dma_wait3A_279] : memref<20x128xi32, #tpu.memory_space<vmem>> -> memref<1x128xi32, #tpu.memory_space<vmem>>
    %dma_wait3A_281 = tpu.memref_squeeze %dma_wait3A_280 : memref<1x128xi32, #tpu.memory_space<vmem>> -> memref<128xi32, #tpu.memory_space<vmem>>
    %dma_wait3A_282 = arith.constant 0 : i32
    %dma_wait3A_283 = arith.constant 0 : i32
    %dma_wait3A_284 = tpu.memref_slice %arg2[%dma_wait3A_282, %dma_wait3A_283] : memref<2000000x32xf32, #tpu.memory_space<hbm>> -> memref<2000000x32xf32, #tpu.memory_space<hbm>>
    tpu.wait_indirect_dma semaphore(%arg10 : memref<!tpu.dma_semaphore, #tpu.memory_space<semaphore_mem>>) src(%dma_wait3A_284 : memref<2000000x32xf32, #tpu.memory_space<hbm>>) dst(%dma_wait3A_278 : memref<128x32xf32, #tpu.memory_space<vmem>>)
    %dma_wait3A_285 = arith.constant 7 : i32
    %dma_wait3A_286 = arith.constant 896 : i32
    %dma_wait3A_287 = arith.constant 0 : i32
    %dma_wait3A_288 = tpu.memref_slice %arg9[%dma_wait3A_286, %dma_wait3A_287] : memref<2560x32xf32, #tpu.memory_space<vmem>> -> memref<128x32xf32, #tpu.memory_space<vmem>>
    %dma_wait3A_289 = arith.constant 0 : i32
    %dma_wait3A_290 = tpu.memref_slice %arg8[%dma_wait3A_285, %dma_wait3A_289] : memref<20x128xi32, #tpu.memory_space<vmem>> -> memref<1x128xi32, #tpu.memory_space<vmem>>
    %dma_wait3A_291 = tpu.memref_squeeze %dma_wait3A_290 : memref<1x128xi32, #tpu.memory_space<vmem>> -> memref<128xi32, #tpu.memory_space<vmem>>
    %dma_wait3A_292 = arith.constant 0 : i32
    %dma_wait3A_293 = arith.constant 0 : i32
    %dma_wait3A_294 = tpu.memref_slice %arg2[%dma_wait3A_292, %dma_wait3A_293] : memref<2000000x32xf32, #tpu.memory_space<hbm>> -> memref<2000000x32xf32, #tpu.memory_space<hbm>>
    tpu.wait_indirect_dma semaphore(%arg10 : memref<!tpu.dma_semaphore, #tpu.memory_space<semaphore_mem>>) src(%dma_wait3A_294 : memref<2000000x32xf32, #tpu.memory_space<hbm>>) dst(%dma_wait3A_288 : memref<128x32xf32, #tpu.memory_space<vmem>>)
    %dma_wait3A_295 = arith.constant 8 : i32
    %dma_wait3A_296 = arith.constant 1024 : i32
    %dma_wait3A_297 = arith.constant 0 : i32
    %dma_wait3A_298 = tpu.memref_slice %arg9[%dma_wait3A_296, %dma_wait3A_297] : memref<2560x32xf32, #tpu.memory_space<vmem>> -> memref<128x32xf32, #tpu.memory_space<vmem>>
    %dma_wait3A_299 = arith.constant 0 : i32
    %dma_wait3A_300 = tpu.memref_slice %arg8[%dma_wait3A_295, %dma_wait3A_299] : memref<20x128xi32, #tpu.memory_space<vmem>> -> memref<1x128xi32, #tpu.memory_space<vmem>>
    %dma_wait3A_301 = tpu.memref_squeeze %dma_wait3A_300 : memref<1x128xi32, #tpu.memory_space<vmem>> -> memref<128xi32, #tpu.memory_space<vmem>>
    %dma_wait3A_302 = arith.constant 0 : i32
    %dma_wait3A_303 = arith.constant 0 : i32
    %dma_wait3A_304 = tpu.memref_slice %arg2[%dma_wait3A_302, %dma_wait3A_303] : memref<2000000x32xf32, #tpu.memory_space<hbm>> -> memref<2000000x32xf32, #tpu.memory_space<hbm>>
    tpu.wait_indirect_dma semaphore(%arg10 : memref<!tpu.dma_semaphore, #tpu.memory_space<semaphore_mem>>) src(%dma_wait3A_304 : memref<2000000x32xf32, #tpu.memory_space<hbm>>) dst(%dma_wait3A_298 : memref<128x32xf32, #tpu.memory_space<vmem>>)
    %dma_wait3A_305 = arith.constant 9 : i32
    %dma_wait3A_306 = arith.constant 1152 : i32
    %dma_wait3A_307 = arith.constant 0 : i32
    %dma_wait3A_308 = tpu.memref_slice %arg9[%dma_wait3A_306, %dma_wait3A_307] : memref<2560x32xf32, #tpu.memory_space<vmem>> -> memref<128x32xf32, #tpu.memory_space<vmem>>
    %dma_wait3A_309 = arith.constant 0 : i32
    %dma_wait3A_310 = tpu.memref_slice %arg8[%dma_wait3A_305, %dma_wait3A_309] : memref<20x128xi32, #tpu.memory_space<vmem>> -> memref<1x128xi32, #tpu.memory_space<vmem>>
    %dma_wait3A_311 = tpu.memref_squeeze %dma_wait3A_310 : memref<1x128xi32, #tpu.memory_space<vmem>> -> memref<128xi32, #tpu.memory_space<vmem>>
    %dma_wait3A_312 = arith.constant 0 : i32
    %dma_wait3A_313 = arith.constant 0 : i32
    %dma_wait3A_314 = tpu.memref_slice %arg2[%dma_wait3A_312, %dma_wait3A_313] : memref<2000000x32xf32, #tpu.memory_space<hbm>> -> memref<2000000x32xf32, #tpu.memory_space<hbm>>
    tpu.wait_indirect_dma semaphore(%arg10 : memref<!tpu.dma_semaphore, #tpu.memory_space<semaphore_mem>>) src(%dma_wait3A_314 : memref<2000000x32xf32, #tpu.memory_space<hbm>>) dst(%dma_wait3A_308 : memref<128x32xf32, #tpu.memory_space<vmem>>)
    %dma_wait3A_315 = arith.constant 10 : i32
    %dma_wait3A_316 = arith.constant 1280 : i32
    %dma_wait3A_317 = arith.constant 0 : i32
    %dma_wait3A_318 = tpu.memref_slice %arg9[%dma_wait3A_316, %dma_wait3A_317] : memref<2560x32xf32, #tpu.memory_space<vmem>> -> memref<128x32xf32, #tpu.memory_space<vmem>>
    %dma_wait3A_319 = arith.constant 0 : i32
    %dma_wait3A_320 = tpu.memref_slice %arg8[%dma_wait3A_315, %dma_wait3A_319] : memref<20x128xi32, #tpu.memory_space<vmem>> -> memref<1x128xi32, #tpu.memory_space<vmem>>
    %dma_wait3A_321 = tpu.memref_squeeze %dma_wait3A_320 : memref<1x128xi32, #tpu.memory_space<vmem>> -> memref<128xi32, #tpu.memory_space<vmem>>
    %dma_wait3A_322 = arith.constant 0 : i32
    %dma_wait3A_323 = arith.constant 0 : i32
    %dma_wait3A_324 = tpu.memref_slice %arg2[%dma_wait3A_322, %dma_wait3A_323] : memref<2000000x32xf32, #tpu.memory_space<hbm>> -> memref<2000000x32xf32, #tpu.memory_space<hbm>>
    tpu.wait_indirect_dma semaphore(%arg10 : memref<!tpu.dma_semaphore, #tpu.memory_space<semaphore_mem>>) src(%dma_wait3A_324 : memref<2000000x32xf32, #tpu.memory_space<hbm>>) dst(%dma_wait3A_318 : memref<128x32xf32, #tpu.memory_space<vmem>>)
    %dma_wait3A_325 = arith.constant 11 : i32
    %dma_wait3A_326 = arith.constant 1408 : i32
    %dma_wait3A_327 = arith.constant 0 : i32
    %dma_wait3A_328 = tpu.memref_slice %arg9[%dma_wait3A_326, %dma_wait3A_327] : memref<2560x32xf32, #tpu.memory_space<vmem>> -> memref<128x32xf32, #tpu.memory_space<vmem>>
    %dma_wait3A_329 = arith.constant 0 : i32
    %dma_wait3A_330 = tpu.memref_slice %arg8[%dma_wait3A_325, %dma_wait3A_329] : memref<20x128xi32, #tpu.memory_space<vmem>> -> memref<1x128xi32, #tpu.memory_space<vmem>>
    %dma_wait3A_331 = tpu.memref_squeeze %dma_wait3A_330 : memref<1x128xi32, #tpu.memory_space<vmem>> -> memref<128xi32, #tpu.memory_space<vmem>>
    %dma_wait3A_332 = arith.constant 0 : i32
    %dma_wait3A_333 = arith.constant 0 : i32
    %dma_wait3A_334 = tpu.memref_slice %arg2[%dma_wait3A_332, %dma_wait3A_333] : memref<2000000x32xf32, #tpu.memory_space<hbm>> -> memref<2000000x32xf32, #tpu.memory_space<hbm>>
    tpu.wait_indirect_dma semaphore(%arg10 : memref<!tpu.dma_semaphore, #tpu.memory_space<semaphore_mem>>) src(%dma_wait3A_334 : memref<2000000x32xf32, #tpu.memory_space<hbm>>) dst(%dma_wait3A_328 : memref<128x32xf32, #tpu.memory_space<vmem>>)
    %dma_wait3A_335 = arith.constant 12 : i32
    %dma_wait3A_336 = arith.constant 1536 : i32
    %dma_wait3A_337 = arith.constant 0 : i32
    %dma_wait3A_338 = tpu.memref_slice %arg9[%dma_wait3A_336, %dma_wait3A_337] : memref<2560x32xf32, #tpu.memory_space<vmem>> -> memref<128x32xf32, #tpu.memory_space<vmem>>
    %dma_wait3A_339 = arith.constant 0 : i32
    %dma_wait3A_340 = tpu.memref_slice %arg8[%dma_wait3A_335, %dma_wait3A_339] : memref<20x128xi32, #tpu.memory_space<vmem>> -> memref<1x128xi32, #tpu.memory_space<vmem>>
    %dma_wait3A_341 = tpu.memref_squeeze %dma_wait3A_340 : memref<1x128xi32, #tpu.memory_space<vmem>> -> memref<128xi32, #tpu.memory_space<vmem>>
    %dma_wait3A_342 = arith.constant 0 : i32
    %dma_wait3A_343 = arith.constant 0 : i32
    %dma_wait3A_344 = tpu.memref_slice %arg2[%dma_wait3A_342, %dma_wait3A_343] : memref<2000000x32xf32, #tpu.memory_space<hbm>> -> memref<2000000x32xf32, #tpu.memory_space<hbm>>
    tpu.wait_indirect_dma semaphore(%arg10 : memref<!tpu.dma_semaphore, #tpu.memory_space<semaphore_mem>>) src(%dma_wait3A_344 : memref<2000000x32xf32, #tpu.memory_space<hbm>>) dst(%dma_wait3A_338 : memref<128x32xf32, #tpu.memory_space<vmem>>)
    %dma_wait3A_345 = arith.constant 13 : i32
    %dma_wait3A_346 = arith.constant 1664 : i32
    %dma_wait3A_347 = arith.constant 0 : i32
    %dma_wait3A_348 = tpu.memref_slice %arg9[%dma_wait3A_346, %dma_wait3A_347] : memref<2560x32xf32, #tpu.memory_space<vmem>> -> memref<128x32xf32, #tpu.memory_space<vmem>>
    %dma_wait3A_349 = arith.constant 0 : i32
    %dma_wait3A_350 = tpu.memref_slice %arg8[%dma_wait3A_345, %dma_wait3A_349] : memref<20x128xi32, #tpu.memory_space<vmem>> -> memref<1x128xi32, #tpu.memory_space<vmem>>
    %dma_wait3A_351 = tpu.memref_squeeze %dma_wait3A_350 : memref<1x128xi32, #tpu.memory_space<vmem>> -> memref<128xi32, #tpu.memory_space<vmem>>
    %dma_wait3A_352 = arith.constant 0 : i32
    %dma_wait3A_353 = arith.constant 0 : i32
    %dma_wait3A_354 = tpu.memref_slice %arg2[%dma_wait3A_352, %dma_wait3A_353] : memref<2000000x32xf32, #tpu.memory_space<hbm>> -> memref<2000000x32xf32, #tpu.memory_space<hbm>>
    tpu.wait_indirect_dma semaphore(%arg10 : memref<!tpu.dma_semaphore, #tpu.memory_space<semaphore_mem>>) src(%dma_wait3A_354 : memref<2000000x32xf32, #tpu.memory_space<hbm>>) dst(%dma_wait3A_348 : memref<128x32xf32, #tpu.memory_space<vmem>>)
    %dma_wait3A_355 = arith.constant 14 : i32
    %dma_wait3A_356 = arith.constant 1792 : i32
    %dma_wait3A_357 = arith.constant 0 : i32
    %dma_wait3A_358 = tpu.memref_slice %arg9[%dma_wait3A_356, %dma_wait3A_357] : memref<2560x32xf32, #tpu.memory_space<vmem>> -> memref<128x32xf32, #tpu.memory_space<vmem>>
    %dma_wait3A_359 = arith.constant 0 : i32
    %dma_wait3A_360 = tpu.memref_slice %arg8[%dma_wait3A_355, %dma_wait3A_359] : memref<20x128xi32, #tpu.memory_space<vmem>> -> memref<1x128xi32, #tpu.memory_space<vmem>>
    %dma_wait3A_361 = tpu.memref_squeeze %dma_wait3A_360 : memref<1x128xi32, #tpu.memory_space<vmem>> -> memref<128xi32, #tpu.memory_space<vmem>>
    %dma_wait3A_362 = arith.constant 0 : i32
    %dma_wait3A_363 = arith.constant 0 : i32
    %dma_wait3A_364 = tpu.memref_slice %arg2[%dma_wait3A_362, %dma_wait3A_363] : memref<2000000x32xf32, #tpu.memory_space<hbm>> -> memref<2000000x32xf32, #tpu.memory_space<hbm>>
    tpu.wait_indirect_dma semaphore(%arg10 : memref<!tpu.dma_semaphore, #tpu.memory_space<semaphore_mem>>) src(%dma_wait3A_364 : memref<2000000x32xf32, #tpu.memory_space<hbm>>) dst(%dma_wait3A_358 : memref<128x32xf32, #tpu.memory_space<vmem>>)
    %dma_wait3A_365 = arith.constant 15 : i32
    %dma_wait3A_366 = arith.constant 1920 : i32
    %dma_wait3A_367 = arith.constant 0 : i32
    %dma_wait3A_368 = tpu.memref_slice %arg9[%dma_wait3A_366, %dma_wait3A_367] : memref<2560x32xf32, #tpu.memory_space<vmem>> -> memref<128x32xf32, #tpu.memory_space<vmem>>
    %dma_wait3A_369 = arith.constant 0 : i32
    %dma_wait3A_370 = tpu.memref_slice %arg8[%dma_wait3A_365, %dma_wait3A_369] : memref<20x128xi32, #tpu.memory_space<vmem>> -> memref<1x128xi32, #tpu.memory_space<vmem>>
    %dma_wait3A_371 = tpu.memref_squeeze %dma_wait3A_370 : memref<1x128xi32, #tpu.memory_space<vmem>> -> memref<128xi32, #tpu.memory_space<vmem>>
    %dma_wait3A_372 = arith.constant 0 : i32
    %dma_wait3A_373 = arith.constant 0 : i32
    %dma_wait3A_374 = tpu.memref_slice %arg2[%dma_wait3A_372, %dma_wait3A_373] : memref<2000000x32xf32, #tpu.memory_space<hbm>> -> memref<2000000x32xf32, #tpu.memory_space<hbm>>
    tpu.wait_indirect_dma semaphore(%arg10 : memref<!tpu.dma_semaphore, #tpu.memory_space<semaphore_mem>>) src(%dma_wait3A_374 : memref<2000000x32xf32, #tpu.memory_space<hbm>>) dst(%dma_wait3A_368 : memref<128x32xf32, #tpu.memory_space<vmem>>)
    %dma_wait3A_375 = arith.constant 16 : i32
    %dma_wait3A_376 = arith.constant 2048 : i32
    %dma_wait3A_377 = arith.constant 0 : i32
    %dma_wait3A_378 = tpu.memref_slice %arg9[%dma_wait3A_376, %dma_wait3A_377] : memref<2560x32xf32, #tpu.memory_space<vmem>> -> memref<128x32xf32, #tpu.memory_space<vmem>>
    %dma_wait3A_379 = arith.constant 0 : i32
    %dma_wait3A_380 = tpu.memref_slice %arg8[%dma_wait3A_375, %dma_wait3A_379] : memref<20x128xi32, #tpu.memory_space<vmem>> -> memref<1x128xi32, #tpu.memory_space<vmem>>
    %dma_wait3A_381 = tpu.memref_squeeze %dma_wait3A_380 : memref<1x128xi32, #tpu.memory_space<vmem>> -> memref<128xi32, #tpu.memory_space<vmem>>
    %dma_wait3A_382 = arith.constant 0 : i32
    %dma_wait3A_383 = arith.constant 0 : i32
    %dma_wait3A_384 = tpu.memref_slice %arg2[%dma_wait3A_382, %dma_wait3A_383] : memref<2000000x32xf32, #tpu.memory_space<hbm>> -> memref<2000000x32xf32, #tpu.memory_space<hbm>>
    tpu.wait_indirect_dma semaphore(%arg10 : memref<!tpu.dma_semaphore, #tpu.memory_space<semaphore_mem>>) src(%dma_wait3A_384 : memref<2000000x32xf32, #tpu.memory_space<hbm>>) dst(%dma_wait3A_378 : memref<128x32xf32, #tpu.memory_space<vmem>>)
    %dma_wait3A_385 = arith.constant 17 : i32
    %dma_wait3A_386 = arith.constant 2176 : i32
    %dma_wait3A_387 = arith.constant 0 : i32
    %dma_wait3A_388 = tpu.memref_slice %arg9[%dma_wait3A_386, %dma_wait3A_387] : memref<2560x32xf32, #tpu.memory_space<vmem>> -> memref<128x32xf32, #tpu.memory_space<vmem>>
    %dma_wait3A_389 = arith.constant 0 : i32
    %dma_wait3A_390 = tpu.memref_slice %arg8[%dma_wait3A_385, %dma_wait3A_389] : memref<20x128xi32, #tpu.memory_space<vmem>> -> memref<1x128xi32, #tpu.memory_space<vmem>>
    %dma_wait3A_391 = tpu.memref_squeeze %dma_wait3A_390 : memref<1x128xi32, #tpu.memory_space<vmem>> -> memref<128xi32, #tpu.memory_space<vmem>>
    %dma_wait3A_392 = arith.constant 0 : i32
    %dma_wait3A_393 = arith.constant 0 : i32
    %dma_wait3A_394 = tpu.memref_slice %arg2[%dma_wait3A_392, %dma_wait3A_393] : memref<2000000x32xf32, #tpu.memory_space<hbm>> -> memref<2000000x32xf32, #tpu.memory_space<hbm>>
    tpu.wait_indirect_dma semaphore(%arg10 : memref<!tpu.dma_semaphore, #tpu.memory_space<semaphore_mem>>) src(%dma_wait3A_394 : memref<2000000x32xf32, #tpu.memory_space<hbm>>) dst(%dma_wait3A_388 : memref<128x32xf32, #tpu.memory_space<vmem>>)
    %dma_wait3A_395 = arith.constant 18 : i32
    %dma_wait3A_396 = arith.constant 2304 : i32
    %dma_wait3A_397 = arith.constant 0 : i32
    %dma_wait3A_398 = tpu.memref_slice %arg9[%dma_wait3A_396, %dma_wait3A_397] : memref<2560x32xf32, #tpu.memory_space<vmem>> -> memref<128x32xf32, #tpu.memory_space<vmem>>
    %dma_wait3A_399 = arith.constant 0 : i32
    %dma_wait3A_400 = tpu.memref_slice %arg8[%dma_wait3A_395, %dma_wait3A_399] : memref<20x128xi32, #tpu.memory_space<vmem>> -> memref<1x128xi32, #tpu.memory_space<vmem>>
    %dma_wait3A_401 = tpu.memref_squeeze %dma_wait3A_400 : memref<1x128xi32, #tpu.memory_space<vmem>> -> memref<128xi32, #tpu.memory_space<vmem>>
    %dma_wait3A_402 = arith.constant 0 : i32
    %dma_wait3A_403 = arith.constant 0 : i32
    %dma_wait3A_404 = tpu.memref_slice %arg2[%dma_wait3A_402, %dma_wait3A_403] : memref<2000000x32xf32, #tpu.memory_space<hbm>> -> memref<2000000x32xf32, #tpu.memory_space<hbm>>
    tpu.wait_indirect_dma semaphore(%arg10 : memref<!tpu.dma_semaphore, #tpu.memory_space<semaphore_mem>>) src(%dma_wait3A_404 : memref<2000000x32xf32, #tpu.memory_space<hbm>>) dst(%dma_wait3A_398 : memref<128x32xf32, #tpu.memory_space<vmem>>)
    %dma_wait3A_405 = arith.constant 19 : i32
    %dma_wait3A_406 = arith.constant 2432 : i32
    %dma_wait3A_407 = arith.constant 0 : i32
    %dma_wait3A_408 = tpu.memref_slice %arg9[%dma_wait3A_406, %dma_wait3A_407] : memref<2560x32xf32, #tpu.memory_space<vmem>> -> memref<128x32xf32, #tpu.memory_space<vmem>>
    %dma_wait3A_409 = arith.constant 0 : i32
    %dma_wait3A_410 = tpu.memref_slice %arg8[%dma_wait3A_405, %dma_wait3A_409] : memref<20x128xi32, #tpu.memory_space<vmem>> -> memref<1x128xi32, #tpu.memory_space<vmem>>
    %dma_wait3A_411 = tpu.memref_squeeze %dma_wait3A_410 : memref<1x128xi32, #tpu.memory_space<vmem>> -> memref<128xi32, #tpu.memory_space<vmem>>
    %dma_wait3A_412 = arith.constant 0 : i32
    %dma_wait3A_413 = arith.constant 0 : i32
    %dma_wait3A_414 = tpu.memref_slice %arg2[%dma_wait3A_412, %dma_wait3A_413] : memref<2000000x32xf32, #tpu.memory_space<hbm>> -> memref<2000000x32xf32, #tpu.memory_space<hbm>>
    tpu.wait_indirect_dma semaphore(%arg10 : memref<!tpu.dma_semaphore, #tpu.memory_space<semaphore_mem>>) src(%dma_wait3A_414 : memref<2000000x32xf32, #tpu.memory_space<hbm>>) dst(%dma_wait3A_408 : memref<128x32xf32, #tpu.memory_space<vmem>>)
    %broadcast_in_dim3A_415 = arith.constant 0.000000e+00 : f32
    %broadcast_in_dim3A_416 = vector.broadcast %broadcast_in_dim3A_415 : f32 to vector<16xf32>
    %scan3A_417 = arith.constant 0 : i32
    %scan3A_418 = arith.constant 5120 : i32
    %scan3A_419 = arith.addi %scan3A_417, %scan3A_418 : i32
    %scan3A_420 = arith.constant 1 : i32
    scf.for %scan3A_422 = %scan3A_417 to %scan3A_419 step %scan3A_420  : i32 {
      %mul3A_423 = arith.constant 1 : i32
      %mul3A_424 = arith.muli %scan3A_422, %mul3A_423 : i32
      %add3A_425 = arith.constant 0 : i32
      %add3A_426 = arith.addi %add3A_425, %mul3A_424 : i32
      %jit3A = arith.constant 2 : i32
      %div3A = arith.divsi %add3A_426, %jit3A : i32
      %sign3A = arith.constant 0 : i32
      %sign3A_427 = arith.cmpi sgt, %add3A_426, %sign3A : i32
      %sign3A_428 = arith.extui %sign3A_427 : i1 to i32
      %sign3A_429 = arith.constant 0 : i32
      %sign3A_430 = arith.cmpi slt, %add3A_426, %sign3A_429 : i32
      %sign3A_431 = arith.extui %sign3A_430 : i1 to i32
      %sign3A_432 = arith.subi %sign3A_428, %sign3A_431 : i32
      %sign3A_433 = arith.constant 0 : i32
      %sign3A_434 = arith.cmpi sgt, %jit3A, %sign3A_433 : i32
      %sign3A_435 = arith.extui %sign3A_434 : i1 to i32
      %sign3A_436 = arith.constant 0 : i32
      %sign3A_437 = arith.cmpi slt, %jit3A, %sign3A_436 : i32
      %sign3A_438 = arith.extui %sign3A_437 : i1 to i32
      %sign3A_439 = arith.subi %sign3A_435, %sign3A_438 : i32
      %ne3A = arith.cmpi ne, %sign3A_432, %sign3A_439 : i32
      %rem3A = arith.remsi %add3A_426, %jit3A : i32
      %ne3A_440 = arith.constant 0 : i32
      %ne3A_441 = arith.cmpi ne, %rem3A, %ne3A_440 : i32
      %and3A = arith.andi %ne3A, %ne3A_441 : i1
      %sub3A = arith.constant 1 : i32
      %sub3A_442 = arith.subi %div3A, %sub3A : i32
      %select_n3A = arith.select %and3A, %sub3A_442, %div3A : i32
      %jit3A_443 = arith.constant 2 : i32
      %eq3A = arith.constant 0 : i32
      %eq3A_444 = arith.cmpi eq, %jit3A_443, %eq3A : i32
      %jit3A_445 = arith.constant 1 : i32
      %select_n3A_446 = arith.select %eq3A_444, %jit3A_445, %jit3A_443 : i32
      %rem3A_447 = arith.remsi %add3A_426, %select_n3A_446 : i32
      %ne3A_448 = arith.constant 0 : i32
      %ne3A_449 = arith.cmpi ne, %rem3A_447, %ne3A_448 : i32
      %lt3A = arith.constant 0 : i32
      %lt3A_450 = arith.cmpi slt, %rem3A_447, %lt3A : i32
      %lt3A_451 = arith.constant 0 : i32
      %lt3A_452 = arith.cmpi slt, %select_n3A_446, %lt3A_451 : i32
      %ne3A_453 = arith.xori %lt3A_450, %lt3A_452 : i1
      %and3A_454 = arith.andi %ne3A_453, %ne3A_449 : i1
      %add3A_455 = arith.addi %rem3A_447, %select_n3A_446 : i32
      %select_n3A_456 = arith.select %and3A_454, %add3A_455, %rem3A_447 : i32
      %mul3A_457 = arith.constant 16 : i32
      %mul3A_458 = arith.muli %select_n3A_456, %mul3A_457 : i32
      %get3A = arith.index_cast %select_n3A : i32 to index
      %get3A_459 = arith.index_cast %mul3A_458 : i32 to index
      %get3A_460 = tpu.vector_load %arg9[%get3A, %get3A_459] {strides = array<i32>} : memref<2560x32xf32, #tpu.memory_space<vmem>>, vector<16xf32>,
      %max3A = arith.maximumf %get3A_460, %broadcast_in_dim3A_416 : vector<16xf32>
      %swap3A = arith.index_cast %select_n3A : i32 to index
      %swap3A_461 = arith.index_cast %mul3A_458 : i32 to index
      %swap3A_462 = tpu.vector_load %arg9[%swap3A, %swap3A_461] {strides = array<i32>} : memref<2560x32xf32, #tpu.memory_space<vmem>>, vector<16xf32>,
      tpu.vector_store %arg9[%swap3A, %swap3A_461], %max3A {strides = array<i32>} : memref<2560x32xf32, #tpu.memory_space<vmem>>, vector<16xf32>,
    }
    %scan3A_421 = arith.constant 5120 : i32
    "tpu.region"() ({
      %run_scoped3A = tpu.sem_alloc : memref<!tpu.dma_semaphore, #tpu.memory_space<semaphore_mem>>
      %dma_start3A_422 = arith.constant 0 : i32
      %dma_start3A_423 = tpu.memref_slice %arg5[%mul3A_2, %dma_start3A_422] : memref<81920x32xf32, #tpu.memory_space<hbm>> -> memref<2560x32xf32, #tpu.memory_space<hbm>>
      %dma_start3A_424 = arith.constant 0 : i32
      %dma_start3A_425 = tpu.memref_slice %arg5[%mul3A_2, %dma_start3A_424] : memref<81920x32xf32, #tpu.memory_space<hbm>> -> memref<2560x32xf32, #tpu.memory_space<hbm>>
      tpu.enqueue_dma source(%arg9 : memref<2560x32xf32, #tpu.memory_space<vmem>>) target(%dma_start3A_425 : memref<2560x32xf32, #tpu.memory_space<hbm>>) target_semaphore(%run_scoped3A : memref<!tpu.dma_semaphore, #tpu.memory_space<semaphore_mem>>)
      %dma_wait3A_426 = arith.constant 0 : i32
      %dma_wait3A_427 = tpu.memref_slice %arg5[%mul3A_2, %dma_wait3A_426] : memref<81920x32xf32, #tpu.memory_space<hbm>> -> memref<2560x32xf32, #tpu.memory_space<hbm>>
      %dma_wait3A_428 = arith.constant 0 : i32
      %dma_wait3A_429 = tpu.memref_slice %arg5[%mul3A_2, %dma_wait3A_428] : memref<81920x32xf32, #tpu.memory_space<hbm>> -> memref<2560x32xf32, #tpu.memory_space<hbm>>
      tpu.wait_dma2 semaphore(%run_scoped3A : memref<!tpu.dma_semaphore, #tpu.memory_space<semaphore_mem>>) src(%arg9 : memref<2560x32xf32, #tpu.memory_space<vmem>>) dst(%dma_wait3A_429 : memref<2560x32xf32, #tpu.memory_space<hbm>>)
      tpu.yield
    }) : () -> ()
    return
  }
}

</mosaic_0001>

<sc_bundles>
// kernel: kernel.3.cloned.1.call-start
scs
__scs_entry_jumppad:
0x0: {  	(pc) =	sbr.rel $0x88, $3  }
0x1: {  	(tag) =	ssettag $0x0;
	lr =	simm.s32 $0x1  }
0x2: {  	[smem:$0x3F9E] =	sst lr;
	_ =	strace $0xD0000000  }
0x3: {  	_ = 	snop  }
0x4: {  	_ = 	snop  }
0x5: {  	_ = 	snop  }
0x6: {  	_ = 	snop  }
0x7: {  	_ = 	snop  }
__scs_overlays_trampoline_lowered:
0x8: {  	[smem:$0x3FAD] =	sst s0  }
0x9: {  	[smem:$0x3FAE] =	sst s1  }
0xa: {  	[smem:$0x3FAF] =	sst s2  }
0xb: {  	[smem:$0x3FB0] =	sst s3  }
0xc: {  	[smem:$0x3FB1] =	sst s4  }
0xd: {  	[smem:$0x3FB2] =	sst s5  }
0xe: {  	[smem:$0x3FB3] =	sst s6  }
0xf: {  	[smem:$0x3FB4] =	sst s7  }
0x10: {  	[smem:$0x3FB5] =	sst s8  }
0x11: {  	[smem:$0x3FB6] =	sst s9;
	s0 =	simm.s32 @!p0 $0x0  }
0x12: {  	s1 =	sld [smem:$0x3F9C];
	s0 =	simm.s32 @p0 $0x1  }
0x13: {  	[smem:$0x3FB7] =	sst s0;
	s0 =	simm.s32 @!p1 $0x0  }
0x14: {  	s2 =	sld [smem:$0x3F9B];
	s0 =	simm.s32 @p1 $0x1  }
0x15: {  	[smem:$0x3FB8] =	sst s0;
	s0 =	simm.s32 @!p2 $0x0  }
0x16: {  	s3 =	sld [smem:$0x3FDB];
	s0 =	simm.s32 @p2 $0x1  }
0x17: {  	s4 =	simm.s32 $0x1BF5;
	[smem:$0x3FBA] =	sst s0  }
0x18: {  	s0 =	sld [smem:$0x3F9D];
	_ =	swait.ge [sflag:s4], $0x0  }
0x19: {  	s7 =	sld [smem:$0x3F9E]  }
0x1a: {  	s8 =	sadd.s32 $0xFFFFE003, lr  }
0x1b: {  	s9 =	sadd.s32 $0xFFFFFEF7, lr;
	s5 =	simm.s32 $0xFFFFFFFF;
	p2 =	slt.u32 s8, $0xFFFFF086  }
0x1c: {  	p1 =	slt.u32 s9, $0xF7A;
	s5 =	simm.s32 @!p2 $0x0  }
0x1d: {  	s5 =	simm.s32 @p1 $0x1;
	p0 =	seq.s32 s7, s2  }
0x1e: {  	s7 =	smul.u32 @!p0 $0xF7A, s2;
	p2 =	seq.s32 @!p0 s5, $0x0  }
0x1f: {  	s9 =	smul.u32 $0xF7A, s1;
	s8 =	simm.s32 @!p0 $0x1BF5;
	p2 =	por !p2, p0  }
0x20: {  	[sflag:s8] =	ssyncset.s32 @!p0 $0xFFFFF086;
	s6 =	sadd.s32 @!p0 s3, s7;
	s7 =	simm.s32 @!p0 $0x108  }
0x21: {  	s3 =	sadd.s32 s3, s9;
	s6 =	sadd.s32 @!p0 $0x88, s6;
	s7 =	simm.s32 @p2 $0x1082  }
0x22: {  	[simem:s7], [sflag:s8] =	dma.local @!p0 [hbm:s6], $0xF7A  }
0x23: {  	s9 =	sor.u32 $0xD0000000, s2;
	s6 =	simm.s32 $0x108;
	_ =	swait.ge @!p0 [sflag:s8], $0x0  }
0x24: {  	s3 =	sadd.s32 $0x88, s3;
	s6 =	simm.s32 @!p1 $0x1082;
	[sflag:s4] =	ssyncset.s32 $0xFFFFF086  }
0x25: {  	[simem:s6], [sflag:s4] =	dma.local [hbm:s3], $0xF7A  }
0x26: {  	[smem:$0x3F9E] =	sst s1;
	(tag) =	ssettag s2;
	_ =	strace s9  }
0x27: {  	s1 =	sld [smem:$0x3FAE]  }
0x28: {  	s2 =	sld [smem:$0x3FAF]  }
0x29: {  	s4 =	sld [smem:$0x3FB1]  }
0x2a: {  	p0 =	seq.s32 s5, $0x0;
	s5 =	sld [smem:$0x3FB2]  }
0x2b: {  	s6 =	sld [smem:$0x3FB3]  }
0x2c: {  	s7 =	sld [smem:$0x3FB4]  }
0x2d: {  	s3 =	simm.s32 $0x108;
	s8 =	sld [smem:$0x3FB5]  }
0x2e: {  	s3 =	simm.s32 @!p0 $0x1082;
	s9 =	sld [smem:$0x3FB6]  }
0x2f: {  	lr =	sadd.s32 s0, s3;
	s0 =	sld [smem:$0x3FAD]  }
0x30: {  	s3 =	sld [smem:$0x3FB0]  }
0x31: {  	[smem:$0x3FB9] =	sst s10  }
0x32: {  	s10 =	sld [smem:$0x3FB7];
	_ =	sdelay $0x3  }
0x33: {  	p0 =	seq.s32 s10, $0x1;
	s10 =	sld [smem:$0x3FB9];
	_ =	sdelay $0x3  }
0x34: {  	[smem:$0x3FB9] =	sst s10  }
0x35: {  	s10 =	sld [smem:$0x3FB8];
	_ =	sdelay $0x3  }
0x36: {  	p1 =	seq.s32 s10, $0x1;
	s10 =	sld [smem:$0x3FB9];
	_ =	sdelay $0x3  }
0x37: {  	[smem:$0x3FB9] =	sst s10  }
0x38: {  	s10 =	sld [smem:$0x3FBA]  }
0x39: {  	_ = 	snop;
	(pc) =	sbr.ind lr, $3  }
0x3a: {  	_ = 	snop  }
0x3b: {  	_ = 	snop  }
0x3c: {  	p2 =	seq.s32 s10, $0x1;
	s10 =	sld [smem:$0x3FB9]  }
0x3d: {  	_ =	shalt  }
0x3e: {  	_ =	shalt  }
0x3f: {  	_ =	shalt  }
0x40: {  	_ =	shalt  }
0x41: {  	_ =	shalt  }
0x42: {  	_ =	shalt  }
0x43: {  	_ =	shalt  }
0x44: {  	_ =	shalt  }
0x45: {  	_ =	shalt  }
0x46: {  	_ =	shalt  }
0x47: {  	_ =	shalt  }
0x48: {  	_ =	shalt  }
0x49: {  	_ =	shalt  }
0x4a: {  	_ =	shalt  }
0x4b: {  	_ =	shalt  }
0x4c: {  	_ =	shalt  }
0x4d: {  	_ =	shalt  }
0x4e: {  	_ =	shalt  }
0x4f: {  	_ =	shalt  }
0x50: {  	_ =	shalt  }
0x51: {  	_ =	shalt  }
0x52: {  	_ =	shalt  }
0x53: {  	_ =	shalt  }
0x54: {  	_ =	shalt  }
0x55: {  	_ =	shalt  }
0x56: {  	_ =	shalt  }
0x57: {  	_ =	shalt  }
0x58: {  	_ =	shalt  }
0x59: {  	_ =	shalt  }
0x5a: {  	_ =	shalt  }
0x5b: {  	_ =	shalt  }
0x5c: {  	_ =	shalt  }
0x5d: {  	_ =	shalt  }
0x5e: {  	_ =	shalt  }
0x5f: {  	_ =	shalt  }
0x60: {  	_ =	shalt  }
0x61: {  	_ =	shalt  }
0x62: {  	_ =	shalt  }
0x63: {  	_ =	shalt  }
0x64: {  	_ =	shalt  }
0x65: {  	_ =	shalt  }
0x66: {  	_ =	shalt  }
0x67: {  	_ =	shalt  }
0x68: {  	_ =	shalt  }
0x69: {  	_ =	shalt  }
0x6a: {  	_ =	shalt  }
0x6b: {  	_ =	shalt  }
0x6c: {  	_ =	shalt  }
0x6d: {  	_ =	shalt  }
0x6e: {  	_ =	shalt  }
0x6f: {  	_ =	shalt  }
0x70: {  	_ =	shalt  }
0x71: {  	_ =	shalt  }
0x72: {  	_ =	shalt  }
0x73: {  	_ =	shalt  }
0x74: {  	_ =	shalt  }
0x75: {  	_ =	shalt  }
0x76: {  	_ =	shalt  }
0x77: {  	_ =	shalt  }
0x78: {  	_ =	shalt  }
0x79: {  	_ =	shalt  }
0x7a: {  	_ =	shalt  }
0x7b: {  	_ =	shalt  }
0x7c: {  	_ =	shalt  }
0x7d: {  	_ =	shalt  }
0x7e: {  	_ =	shalt  }
0x7f: {  	_ =	shalt  }
0x80: {  	_ =	shalt  }
0x81: {  	_ =	shalt  }
0x82: {  	_ =	shalt  }
0x83: {  	_ =	shalt  }
0x84: {  	_ =	shalt  }
0x85: {  	_ =	shalt  }
0x86: {  	_ =	shalt  }
0x87: {  	_ =	shalt  }
.Lfunc_end0:
.L_simem_size_0:
called_computation.1_lowered:
.L_overlay_start_0:
0x88: {  	s2 =	sld [smem:$0x3FD9]  }
0x89: {  	s3 =	sld [smem:$0x3FFE];
	_ =	sdelay $0x1  }
0x8a: {  	s1 =	srdreg.scid  }
0x8b: {  	s0 =	sand.u32 $0x1, s1  }
0x8c: {  	s17 =	sshll.u32 s0, $0xA;
	s2 =	sadd.s32 s3, s2  }
0x8d: {  	s2 =	sadd.s32 s2, s17  }
0x8e: {  	[smem:$0x3FC5] =	sst s2  }
0x8f: {  	_ = 	snop  }
0x90: {  	s2 =	sld [smem:$0x3FC8]  }
0x91: {  	s18 =	sld [smem:$0x3FD0];
	(tm) =	ssettm $0x1  }
0x92: {  	s4 =	sld [smem:$0x3FFB];
	_ =	sdelay $0x3  }
0x93: {  	_ =	strace s4  }
0x94: {  	s4 =	sld [smem:$0x3FFC];
	_ =	sdelay $0x3  }
0x95: {  	_ =	strace s4  }
0x96: {  	s4 =	sld [smem:$0x3FFD];
	_ =	sdelay $0x3  }
0x97: {  	_ =	strace s4  }
0x98: {  	_ =	strace $0x8FFFFFFF  }
0x99: {  	s19 =	sld [smem:$0x3FDB];
	_ =	sdelay $0x1  }
0x9a: {  	s5 =	simm.s32 $_scs_section_size  }
0x9b: {  	s6 =	simm.s32 $_size__tile_overlayer_lowered;
	s7 =	simm.s32 $_tile_overlayer_lowered  }
0x9c: {  	s22 =	simm.s32 $0x1BFF;
	s21 =	sshll.u32 s7, $0x1;
	s4 =	sadd.s32 s5, s19  }
0x9d: {  	s8 =	simm.s32 $0x0;
	s20 =	sshll.u32 s6, $0x1;
	s6 =	sadd.s32 s21, s4  }
0x9e: {  	[timem:s8], [sflag:s22] =	dma.local [hbm:s6], s20  }
0x9f: {  	_ =	swait.ge [sflag:s22], s20  }
0xa0: {  	s5 =	ssub.s32 $0x0, s20;
	[sflag:s22] =	ssyncset.done $0x0  }
0xa1: {  	[sflag:s22] =	ssyncadd.s32 s5;
	_ =	sdelay $0x1  }
0xa2: {  	s23 =	simm.s32 $0x1B8B  }
0xa3: {  	_ =	swait.ge [sflag:s23], $0x1  }
0xa4: {  	[sflag:s23] =	ssyncset.done $0x0  }
0xa5: {  	s25 =	simm.s32 $0x1B8E;
	s24 =	sld [smem:$0x3FFE];
	[sflag:s23] =	ssyncadd.s32 $0xFFFFFFFF  }
0xa6: {  	s26 =	simm.s32 $execute0_lowered;
	[smem:$0x3FD2] =	sst s25  }
0xa7: {  	s6 =	sshll.u32 s26, $0x1;
	_ =	strace $0x80000049;
	[dreg:$0x1] =	wrdreg $0xFFFFFFFF  }
0xa8: {  	s28 =	simm.s32 $_size_execute0_lowered;
	s4 =	sadd.s32 s4, s6;
	[dreg:$0x0] =	wrdreg $0x0  }
0xa9: {  	s6 =	sshll.u32 s28, $0x1;
	[dreg:$0x2] =	wrdreg s4  }
0xaa: {  	[dreg:$0x3] =	wrdreg s6  }
0xab: {  	[dreg:$0x4] =	wrdreg $0xC0  }
0xac: {  	_ =	task [dreg:s8], $0x5FFFF  }
0xad: {  	[dreg:$0x1] =	wrdreg $0xFFFFFFFF  }
0xae: {  	[dreg:$0x0] =	wrdreg $0x60  }
0xaf: {  	[dreg:$0x2] =	wrdreg s24  }
0xb0: {  	[dreg:$0x3] =	wrdreg s2  }
0xb1: {  	[dreg:$0x4] =	wrdreg s18  }
0xb2: {  	[dreg:$0x5] =	wrdreg $0x9  }
0xb3: {  	_ =	task.clear_ibuf [dreg:s8], $0x6FFFF;
	_ =	strace $0x90000049  }
0xb4: {  	s29 =	simm.s32 $0x9;
	_ =	strace $0x8000004B  }
0xb5: {  	_ =	swait.ge [sflag:s29], $0x1  }
0xb6: {  	[sflag:s29] =	ssyncadd.s32 $0xFFFFFFFF  }
0xb7: {  	_ =	strace $0x9000004B  }
0xb8: {  	_ =	sfence  }
0xb9: {  	s30 =	sld [smem:$0x0];
	_ =	sdelay $0x2  }
0xba: {  	s31 =	sshll.u32 s1, $0xD;
	s1 =	sshrl.u32 s1, $0x2  }
0xbb: {  	s3 =	sand.u32 $0x4000, s31;
	s1 =	sadd.s32 s1, s30  }
0xbc: {  	s0 =	sor.u32 s3, s0;
	s1 =	sshll.u32 s1, $0x11  }
0xbd: {  	s0 =	sor.u32 s1, s0  }
0xbe: {  	s0 =	sadd.s32 $0x8F2B, s0  }
0xbf: {  	[sflag:s0] =	ssyncadd.remote.s32 $0x1  }
0xc0: {  	_ =	sfence.sel $0xFFFF  }
0xc1: {  	[dreg:$0x0] =	wrdreg $0xFFFFFFFF;
	(pc) =	sbr.abs _section_cstart, $3  }
0xc2: {  	[dreg:$0x1] =	wrdreg $0xFFFFFFFF  }
0xc3: {  	_ =	task.clear_ibuf [dreg:s8], $0x2FFFF;
	_ =	strace $0x9FFFFFFF  }
0xc4: {  	(tm) =	ssettm $0x7FFFFFFF  }
0xc5: {  	_ =	shalt  }
tec
execute0_lowered:
.L_overlay_start_1:
0x0: {  	(tag) =	ssettag $0x1  }
0x1: {  	s0 =	rddreg [dreg:$0x0]  }
0x2: {  	s1 =	rddreg [dreg:$0x1]  }
0x3: {  	s6 =	rddreg [dreg:$0x2]  }
0x4: {  	s3 =	srdreg.scid;
	s4 =	stileid.u32;
	s2 =	simm.s32 $0x0  }
0x5: {  	s11 =	simm.s32 $0x1480;
	s14 =	simm.s32 $0x1100;
	s15 =	simm.s32 $0xE480  }
0x6: {  	s16 =	simm.s32 $0x1180;
	s17 =	simm.s32 $0xF480;
	s18 =	simm.s32 $0x1200  }
0x7: {  	s19 =	simm.s32 $0x10480;
	s20 =	simm.s32 $0x1280;
	s21 =	simm.s32 $0x11480  }
0x8: {  	s22 =	simm.s32 $0x1300;
	s23 =	simm.s32 $0x12480;
	s24 =	simm.s32 $0x1380  }
0x9: {  	s25 =	simm.s32 $0x13480;
	s26 =	simm.s32 $0x1400;
	s28 =	simm.s32 $0x14480  }
0xa: {  	s29 =	simm.s32 $0x1;
	s3 =	sand.u32 $0x1, s3;
	s4 =	sshll.u32 s4, $0x1  }
0xb: {  	s30 =	simm.s32 $0x0;
	[smem:$0x7FF] =	sst s2;
	s4 =	sor.u32 s3, s4  }
0xc: {  	_ =	strace $0x8000004A;
	s7 =	ssub.s32 $0x2, s3;
	s5 =	smul.u32 $0x140, s4  }
0xd: {  	s8 =	sshrl.u32 s7, $0x1;
	s9 =	smul.u32 $0x2800, s4;
	s4 =	sshll.u32 s4, $0x4  }
0xe: {  	s3 =	sadd.s32 $0x24A2200, s0;
	s7 =	ssub.s32 s7, s8;
	s4 =	sadd.s32 s1, s4  }
0xf: {  	s8 =	simm.s32 $0x2;
	s0 =	sadd.s32 s5, s0;
	s6 =	sadd.s32 s6, s9  }
0x10: {  	s7 =	smax.u32 s7, $0x1;
	s9 =	simm.s32 $0x80;
	s5 =	sadd.s32 $0x249FA00, s0  }
.LBB2_1:
0x11: {  	[tilespmem:s2], [sflag:$0x2] =	stream.linear.gather [hbm4b:s4+s2], $0x80, $0x38;
	v0 =	vlaneseq.u32;
	[tilespmem:$0x15480] =	vst v63  }
0x12: {  	_ =	swait.ge [sflag:s8], $0x80;
	v1 =	vmul.u32 $0xCCD, v0  }
0x13: {  	[sflag:s8] =	ssyncset.done $0x0  }
0x14: {  	[sflag:s8] =	ssyncadd.s32 $0xFFFFFF80;
	v1 =	vshrl.u32 v1, $0x10  }
0x15: {  	[tilespmem:s9], [sflag:$0x2] =	stream.linear.gather [hbm4b:s5+s2], $0xA00, $0x38;
	[tilespmem:$0x15480] =	vst v63  }
0x16: {  	_ =	swait.ge [sflag:s8], $0xA00  }
0x17: {  	[sflag:s8] =	ssyncset.done $0x0  }
0x18: {  	[sflag:s8] =	ssyncadd.s32 $0xFFFFF600  }
0x19: {  	v1 =	vld.idx.msk [tilespmem:v1+s2+$0x0], $0xffff  }
0x1a: {  	s31 =	simm.s32 $0x10;
	s0 =	simm.s32 $0x0;
	v0 =	vadd.s32 $0x10, v0  }
0x1b: {  	s1 =	simm.s32 $0x20;
	s10 =	simm.s32 $0x0;
	v3 =	vmul.u32 $0xCCD, v0;
	v2 =	vld [tilespmem:s0+$0x80];
	s0 =	simm.s32 $0x0  }
.LBB2_2:
0x1c: {  	p0 =	sne.s32 s1, $0x9F0  }
0x1d: {  	v3 =	vshrl.u32 v3, $0x10  }
0x1e: {  	s12 =	sand.u32 $0x3E00, s0;
	v1 =	vmul.u32 $0x14, v1  }
0x1f: {  	s13 =	sand.u32 $0x70, s10;
	s10 =	smov.u32 s31;
	s12 =	sshrl.u32 s12, $0x2  }
0x20: {  	s31 =	smov.u32 s1;
	s12 =	sor.u32 s13, s12;
	v1 =	vadd.s32 v2, v1  }
.Ltmp0:
0x21: {  	[tilespmem:s12+$0xA80] =	vst v1;
	(pc) =	sbr.rel @p0 .LBB2_2-.Ltmp0, $4  }
0x22: {  	v1 =	vld.idx.msk [tilespmem:v3+s2+$0x0], $0xffff  }
0x23: {  	s0 =	sadd.s32 $0x40, s0  }
0x24: {  	v0 =	vadd.s32 $0x10, v0;
	s12 =	sshra.s32 s0, $0x2  }
0x25: {  	s1 =	sadd.s32 $0x10, s1;
	v3 =	vmul.u32 $0xCCD, v0;
	v2 =	vld [tilespmem:s12+$0x80]  }
0x26: {  	_ = 	snop  }
0x27: {  	v0 =	vshrl.u32 v3, $0x10  }
0x28: {  	s1 =	sand.u32 $0x3E00, s0;
	v1 =	vmul.u32 $0x14, v1  }
0x29: {  	s10 =	sand.u32 $0x70, s10;
	s1 =	sshrl.u32 s1, $0x2  }
0x2a: {  	s1 =	sor.u32 s10, s1;
	v1 =	vadd.s32 v2, v1  }
0x2b: {  	[tilespmem:s1+$0xA80] =	vst v1  }
0x2c: {  	s13 =	sadd.s32 $0x40, s0;
	v0 =	vld.idx.msk [tilespmem:v0+s2+$0x0], $0xffff  }
0x2d: {  	s10 =	sshra.s32 s13, $0x2  }
0x2e: {  	v1 =	vld [tilespmem:s10+$0x80];
	_ =	sdelay $0x2  }
0x2f: {  	s0 =	sand.u32 $0x3E00, s13;
	v0 =	vmul.u32 $0x14, v0  }
0x30: {  	s12 =	sand.u32 $0x70, s31;
	s0 =	sshrl.u32 s0, $0x2  }
0x31: {  	s0 =	sor.u32 s12, s0;
	v0 =	vadd.s32 v1, v0  }
0x32: {  	s13 =	simm.s32 $0xA80;
	[tilespmem:s0+$0xA80] =	vst v0  }
0x33: {  	[tilespmem:s11], [sflag:$0x1] =	stream.indirect.gather [hbm4b:s3+s9], $0x20, s13, s9, $0xb8;
	[tilespmem:$0x15480] =	vst v63  }
0x34: {  	s1 =	simm.s32 $0xB00;
	s10 =	simm.s32 $0x2480  }
0x35: {  	[tilespmem:s10], [sflag:$0x1] =	stream.indirect.gather [hbm4b:s3+s9], $0x20, s1, s9, $0xb8;
	[tilespmem:$0x15480] =	vst v63  }
0x36: {  	s12 =	simm.s32 $0xB80;
	s13 =	simm.s32 $0x3480  }
0x37: {  	[tilespmem:s13], [sflag:$0x1] =	stream.indirect.gather [hbm4b:s3+s9], $0x20, s12, s9, $0xb8;
	[tilespmem:$0x15480] =	vst v63  }
0x38: {  	s1 =	simm.s32 $0xC00;
	s10 =	simm.s32 $0x4480  }
0x39: {  	[tilespmem:s10], [sflag:$0x1] =	stream.indirect.gather [hbm4b:s3+s9], $0x20, s1, s9, $0xb8;
	[tilespmem:$0x15480] =	vst v63  }
0x3a: {  	s12 =	simm.s32 $0xC80;
	s13 =	simm.s32 $0x5480  }
0x3b: {  	[tilespmem:s13], [sflag:$0x1] =	stream.indirect.gather [hbm4b:s3+s9], $0x20, s12, s9, $0xb8;
	[tilespmem:$0x15480] =	vst v63  }
0x3c: {  	s1 =	simm.s32 $0xD00;
	s10 =	simm.s32 $0x6480  }
0x3d: {  	[tilespmem:s10], [sflag:$0x1] =	stream.indirect.gather [hbm4b:s3+s9], $0x20, s1, s9, $0xb8;
	[tilespmem:$0x15480] =	vst v63  }
0x3e: {  	s12 =	simm.s32 $0xD80;
	s13 =	simm.s32 $0x7480  }
0x3f: {  	[tilespmem:s13], [sflag:$0x1] =	stream.indirect.gather [hbm4b:s3+s9], $0x20, s12, s9, $0xb8;
	[tilespmem:$0x15480] =	vst v63  }
0x40: {  	s1 =	simm.s32 $0xE00;
	s10 =	simm.s32 $0x8480  }
0x41: {  	[tilespmem:s10], [sflag:$0x1] =	stream.indirect.gather [hbm4b:s3+s9], $0x20, s1, s9, $0xb8;
	[tilespmem:$0x15480] =	vst v63  }
0x42: {  	s12 =	simm.s32 $0xE80;
	s13 =	simm.s32 $0x9480  }
0x43: {  	[tilespmem:s13], [sflag:$0x1] =	stream.indirect.gather [hbm4b:s3+s9], $0x20, s12, s9, $0xb8;
	[tilespmem:$0x15480] =	vst v63  }
0x44: {  	s1 =	simm.s32 $0xF00;
	s10 =	simm.s32 $0xA480  }
0x45: {  	[tilespmem:s10], [sflag:$0x1] =	stream.indirect.gather [hbm4b:s3+s9], $0x20, s1, s9, $0xb8;
	[tilespmem:$0x15480] =	vst v63  }
0x46: {  	s12 =	simm.s32 $0xF80;
	s13 =	simm.s32 $0xB480  }
0x47: {  	[tilespmem:s13], [sflag:$0x1] =	stream.indirect.gather [hbm4b:s3+s9], $0x20, s12, s9, $0xb8;
	[tilespmem:$0x15480] =	vst v63  }
0x48: {  	s1 =	simm.s32 $0x1000;
	s10 =	simm.s32 $0xC480  }
0x49: {  	[tilespmem:s10], [sflag:$0x1] =	stream.indirect.gather [hbm4b:s3+s9], $0x20, s1, s9, $0xb8;
	[tilespmem:$0x15480] =	vst v63  }
0x4a: {  	s12 =	simm.s32 $0x1080;
	s13 =	simm.s32 $0xD480  }
0x4b: {  	[tilespmem:s13], [sflag:$0x1] =	stream.indirect.gather [hbm4b:s3+s9], $0x20, s12, s9, $0xb8;
	[tilespmem:$0x15480] =	vst v63  }
0x4c: {  	_ = 	snop  }
0x4d: {  	[tilespmem:s15], [sflag:$0x1] =	stream.indirect.gather [hbm4b:s3+s9], $0x20, s14, s9, $0xb8;
	[tilespmem:$0x15480] =	vst v63  }
0x4e: {  	_ = 	snop  }
0x4f: {  	[tilespmem:s17], [sflag:$0x1] =	stream.indirect.gather [hbm4b:s3+s9], $0x20, s16, s9, $0xb8;
	[tilespmem:$0x15480] =	vst v63  }
0x50: {  	_ = 	snop  }
0x51: {  	[tilespmem:s19], [sflag:$0x1] =	stream.indirect.gather [hbm4b:s3+s9], $0x20, s18, s9, $0xb8;
	[tilespmem:$0x15480] =	vst v63  }
0x52: {  	_ = 	snop  }
0x53: {  	[tilespmem:s21], [sflag:$0x1] =	stream.indirect.gather [hbm4b:s3+s9], $0x20, s20, s9, $0xb8;
	[tilespmem:$0x15480] =	vst v63  }
0x54: {  	_ = 	snop  }
0x55: {  	[tilespmem:s23], [sflag:$0x1] =	stream.indirect.gather [hbm4b:s3+s9], $0x20, s22, s9, $0xb8;
	[tilespmem:$0x15480] =	vst v63  }
0x56: {  	_ = 	snop  }
0x57: {  	[tilespmem:s25], [sflag:$0x1] =	stream.indirect.gather [hbm4b:s3+s9], $0x20, s24, s9, $0xb8;
	[tilespmem:$0x15480] =	vst v63  }
0x58: {  	_ = 	snop  }
0x59: {  	[tilespmem:s28], [sflag:$0x1] =	stream.indirect.gather [hbm4b:s3+s9], $0x20, s26, s9, $0xb8;
	[tilespmem:$0x15480] =	vst v63  }
0x5a: {  	_ =	swait.ge [sflag:s29], $0x1000  }
0x5b: {  	[sflag:s29] =	ssyncset.done $0x0  }
0x5c: {  	[sflag:s29] =	ssyncadd.s32 $0xFFFFF000  }
0x5d: {  	_ =	swait.ge [sflag:s29], $0x1000  }
0x5e: {  	[sflag:s29] =	ssyncset.done $0x0  }
0x5f: {  	[sflag:s29] =	ssyncadd.s32 $0xFFFFF000  }
0x60: {  	_ =	swait.ge [sflag:s29], $0x1000  }
0x61: {  	[sflag:s29] =	ssyncset.done $0x0  }
0x62: {  	[sflag:s29] =	ssyncadd.s32 $0xFFFFF000  }
0x63: {  	_ =	swait.ge [sflag:s29], $0x1000  }
0x64: {  	[sflag:s29] =	ssyncset.done $0x0  }
0x65: {  	[sflag:s29] =	ssyncadd.s32 $0xFFFFF000  }
0x66: {  	_ =	swait.ge [sflag:s29], $0x1000  }
0x67: {  	[sflag:s29] =	ssyncset.done $0x0  }
0x68: {  	[sflag:s29] =	ssyncadd.s32 $0xFFFFF000  }
0x69: {  	_ =	swait.ge [sflag:s29], $0x1000  }
0x6a: {  	[sflag:s29] =	ssyncset.done $0x0  }
0x6b: {  	[sflag:s29] =	ssyncadd.s32 $0xFFFFF000  }
0x6c: {  	_ =	swait.ge [sflag:s29], $0x1000  }
0x6d: {  	[sflag:s29] =	ssyncset.done $0x0  }
0x6e: {  	[sflag:s29] =	ssyncadd.s32 $0xFFFFF000  }
0x6f: {  	_ =	swait.ge [sflag:s29], $0x1000  }
0x70: {  	[sflag:s29] =	ssyncset.done $0x0  }
0x71: {  	[sflag:s29] =	ssyncadd.s32 $0xFFFFF000  }
0x72: {  	_ =	swait.ge [sflag:s29], $0x1000  }
0x73: {  	[sflag:s29] =	ssyncset.done $0x0  }
0x74: {  	[sflag:s29] =	ssyncadd.s32 $0xFFFFF000  }
0x75: {  	_ =	swait.ge [sflag:s29], $0x1000  }
0x76: {  	[sflag:s29] =	ssyncset.done $0x0  }
0x77: {  	[sflag:s29] =	ssyncadd.s32 $0xFFFFF000  }
0x78: {  	_ =	swait.ge [sflag:s29], $0x1000  }
0x79: {  	[sflag:s29] =	ssyncset.done $0x0  }
0x7a: {  	[sflag:s29] =	ssyncadd.s32 $0xFFFFF000  }
0x7b: {  	_ =	swait.ge [sflag:s29], $0x1000  }
0x7c: {  	[sflag:s29] =	ssyncset.done $0x0  }
0x7d: {  	[sflag:s29] =	ssyncadd.s32 $0xFFFFF000  }
0x7e: {  	_ =	swait.ge [sflag:s29], $0x1000  }
0x7f: {  	[sflag:s29] =	ssyncset.done $0x0  }
0x80: {  	[sflag:s29] =	ssyncadd.s32 $0xFFFFF000  }
0x81: {  	_ =	swait.ge [sflag:s29], $0x1000  }
0x82: {  	[sflag:s29] =	ssyncset.done $0x0  }
0x83: {  	[sflag:s29] =	ssyncadd.s32 $0xFFFFF000  }
0x84: {  	_ =	swait.ge [sflag:s29], $0x1000  }
0x85: {  	[sflag:s29] =	ssyncset.done $0x0  }
0x86: {  	[sflag:s29] =	ssyncadd.s32 $0xFFFFF000  }
0x87: {  	_ =	swait.ge [sflag:s29], $0x1000  }
0x88: {  	[sflag:s29] =	ssyncset.done $0x0  }
0x89: {  	[sflag:s29] =	ssyncadd.s32 $0xFFFFF000  }
0x8a: {  	_ =	swait.ge [sflag:s29], $0x1000  }
0x8b: {  	[sflag:s29] =	ssyncset.done $0x0  }
0x8c: {  	[sflag:s29] =	ssyncadd.s32 $0xFFFFF000  }
0x8d: {  	_ =	swait.ge [sflag:s29], $0x1000  }
0x8e: {  	[sflag:s29] =	ssyncset.done $0x0  }
0x8f: {  	[sflag:s29] =	ssyncadd.s32 $0xFFFFF000  }
0x90: {  	_ =	swait.ge [sflag:s29], $0x1000  }
0x91: {  	[sflag:s29] =	ssyncset.done $0x0  }
0x92: {  	s10 =	simm.s32 $0x0;
	[sflag:s29] =	ssyncadd.s32 $0xFFFFF000  }
0x93: {  	s12 =	sand.u32 $0x7FF80, s10;
	_ =	swait.ge [sflag:s29], $0x1000  }
0x94: {  	s0 =	sand.u32 $0x10, s10;
	s1 =	sshrl.u32 s12, $0x2;
	[sflag:s29] =	ssyncset.done $0x0  }
0x95: {  	s0 =	sor.u32 s0, s1;
	[sflag:s29] =	ssyncadd.s32 $0xFFFFF000  }
0x96: {  	v0 =	vld [tilespmem:s0+$0x1480];
	_ =	sdelay $0x2  }
0x97: {  	s13 =	simm.s32 $0x40  }
0x98: {  	s10 =	simm.s32 $0x80;
	s31 =	sand.u32 $0x7FF80, s13;
	s1 =	simm.s32 $0x10  }
.LBB2_4:
0x99: {  	p0 =	sne.s32 s10, $0x4FFC0;
	s12 =	sand.u32 $0x10, s1;
	s13 =	sshrl.u32 s31, $0x2;
	v0 =	vmax.f32 v0, $0.0e+00  }
0x9a: {  	[tilespmem:s0+$0x1480] =	vst v0;
	s0 =	sor.u32 s12, s13  }
.Ltmp1:
0x9b: {  	v0 =	vld [tilespmem:s0+$0x1480];
	(pc) =	sbr.rel @p0 .LBB2_4-.Ltmp1, $2  }
0x9c: {  	_ =	sdelay $0x2  }
0x9d: {  	s31 =	sand.u32 $0x7FF80, s10;
	s10 =	sadd.s32 $0x40, s10;
	s1 =	sadd.s32 $0x10, s1  }
0x9e: {  	s1 =	sand.u32 $0x10, s1;
	s10 =	sshrl.u32 s31, $0x2;
	v0 =	vmax.f32 v0, $0.0e+00  }
0x9f: {  	s1 =	sor.u32 s1, s10;
	[tilespmem:s0+$0x1480] =	vst v0  }
0xa0: {  	v0 =	vld [tilespmem:s1+$0x1480];
	_ =	sdelay $0x3  }
0xa1: {  	s30 =	sadd.s32 $0x1, s30  }
0xa2: {  	p0 =	sne.s32 s30, s7;
	v0 =	vmax.f32 v0, $0.0e+00  }
.Ltmp2:
0xa3: {  	[tilespmem:s1+$0x1480] =	vst v0;
	(pc) =	sbr.rel @p0 .LBB2_1-.Ltmp2, $4  }
0xa4: {  	[hbm4b:s6+s2] =	stream.linear.scatter [tilespmem:s11], [sflag:$0x2], $0x14000, $0x38;
	[tilespmem:$0x15480] =	vst v63  }
0xa5: {  	_ =	swait.ge [sflag:s8], $0x14000  }
0xa6: {  	[sflag:s8] =	ssyncset.done $0x0  }
0xa7: {  	[sflag:s8] =	ssyncadd.s32 $0xFFFEC000  }
0xa8: {  	_ =	sfence.sel $0x180000  }
0xa9: {  	[bflag:$0x0] =	sbarrier.arrive $0xFFFF  }
0xaa: {  	_ =	strace $0x9000004A  }
0xab: {  	s0 =	stileid.u32;
	[bflag:$0x2] =	sbarrier.arrive $0xFFFF  }
0xac: {  	p0 =	sne.s32 s0, $0x0;
	s0 =	rddreg [dreg:$0x3]  }
0xad: {  	s0 =	sadd.s32 @!p0 $0x100000, s0  }
0xae: {  	[sflag:s0] =	ssyncadd.tile.s32 @!p0 $0x1;
	_ =	shalt  }
.Lfunc_end2:
_tile_overlayer_lowered:
.L_overlay_start_2:
0xaf: {  	(tag) =	ssettag $0x2  }
0xb0: {  	s0 =	rddreg [dreg:$0x0];
	s2 =	stileid.u32  }
0xb1: {  	s1 =	rddreg [dreg:$0x1];
	p0 =	sne.s32 s2, $0x0  }
0xb2: {  	s3 =	rddreg [dreg:$0x2];
	[bflag:$0x3] =	sbarrier.arrive $0xFFFF;
	s2 =	simm.s32 @!p0 $0x1C02  }
0xb3: {  	[timem:s3], [sflag:s2] =	dma.local @!p0 [hbm:s0], s1  }
0xb4: {  	s0 =	simm.s32 @!p0 $0x2  }
0xb5: {  	_ =	swait.ge @!p0 [sflag:s0], s1  }
0xb6: {  	s1 =	ssub.s32 @!p0 $0x0, s1;
	[sflag:s0] =	ssyncset.done @!p0 $0x0  }
0xb7: {  	[sflag:s0] =	ssyncadd.s32 @!p0 s1  }
0xb8: {  	[bflag:$0x3] =	sbarrier.arrive $0xFFFF  }
0xb9: {  	_ =	shalt  }

// kernel: sparse-core-data-format-call.cloned.1.call-start
scs
called_computation_lowered:
.L_overlay_start_0:
0x0: {  	s2 =	sld [smem:$0x3FD9]  }
0x1: {  	s3 =	sld [smem:$0x3FFE];
	_ =	sdelay $0x1  }
0x2: {  	s1 =	srdreg.scid  }
0x3: {  	s0 =	sand.u32 $0x1, s1  }
0x4: {  	s18 =	sshll.u32 s0, $0xA;
	s2 =	sadd.s32 s3, s2  }
0x5: {  	s2 =	sadd.s32 s2, s18  }
0x6: {  	[smem:$0x3FC5] =	sst s2  }
0x7: {  	_ = 	snop  }
0x8: {  	s2 =	sld [smem:$0x3FC9];
	(tm) =	ssettm $0x1  }
0x9: {  	s19 =	sld [smem:$0x3FFB];
	_ =	sdelay $0x3  }
0xa: {  	_ =	strace s19  }
0xb: {  	s3 =	sld [smem:$0x3FFC];
	_ =	sdelay $0x3  }
0xc: {  	_ =	strace s3  }
0xd: {  	s3 =	sld [smem:$0x3FFD];
	_ =	sdelay $0x3  }
0xe: {  	_ =	strace s3  }
0xf: {  	_ =	strace $0x8FFFFFFF  }
0x10: {  	s20 =	sld [smem:$0x3FDB];
	_ =	sdelay $0x1  }
0x11: {  	s4 =	simm.s32 $_scs_section_size  }
0x12: {  	s5 =	simm.s32 $_size__tile_overlayer_lowered;
	s6 =	simm.s32 $_tile_overlayer_lowered  }
0x13: {  	s23 =	simm.s32 $0x1BFF;
	s22 =	sshll.u32 s6, $0x1;
	s3 =	sadd.s32 s4, s20  }
0x14: {  	s7 =	simm.s32 $0x0;
	s21 =	sshll.u32 s5, $0x1;
	s5 =	sadd.s32 s22, s3  }
0x15: {  	[timem:s7], [sflag:s23] =	dma.local [hbm:s5], s21  }
0x16: {  	_ =	swait.ge [sflag:s23], s21  }
0x17: {  	s4 =	ssub.s32 $0x0, s21;
	[sflag:s23] =	ssyncset.done $0x0  }
0x18: {  	[sflag:s23] =	ssyncadd.s32 s4;
	_ =	sdelay $0x1  }
0x19: {  	s24 =	simm.s32 $0x1B8B  }
0x1a: {  	_ =	swait.ge [sflag:s24], $0x1  }
0x1b: {  	[sflag:s24] =	ssyncset.done $0x0  }
0x1c: {  	s26 =	simm.s32 $0x1B8E;
	s25 =	sld [smem:$0x3FFE];
	[sflag:s24] =	ssyncadd.s32 $0xFFFFFFFF  }
0x1d: {  	s27 =	simm.s32 $execute0_lowered;
	[smem:$0x3FD2] =	sst s26  }
0x1e: {  	s5 =	sshll.u32 s27, $0x1;
	_ =	strace $0x80000046;
	[dreg:$0x1] =	wrdreg $0xFFFFFFFF  }
0x1f: {  	s28 =	simm.s32 $_size_execute0_lowered;
	s3 =	sadd.s32 s3, s5;
	[dreg:$0x0] =	wrdreg $0x0  }
0x20: {  	s5 =	sshll.u32 s28, $0x1;
	[dreg:$0x2] =	wrdreg s3  }
0x21: {  	[dreg:$0x3] =	wrdreg s5  }
0x22: {  	[dreg:$0x4] =	wrdreg $0xC0  }
0x23: {  	_ =	task [dreg:s7], $0x5FFFF  }
0x24: {  	[dreg:$0x1] =	wrdreg $0xFFFFFFFF  }
0x25: {  	[dreg:$0x0] =	wrdreg $0x60  }
0x26: {  	[dreg:$0x2] =	wrdreg s2  }
0x27: {  	[dreg:$0x3] =	wrdreg s25  }
0x28: {  	[dreg:$0x4] =	wrdreg $0x9  }
0x29: {  	_ =	task.clear_ibuf [dreg:s7], $0x5FFFF;
	_ =	strace $0x90000046  }
0x2a: {  	s29 =	simm.s32 $0x9;
	_ =	strace $0x80000048  }
0x2b: {  	_ =	swait.ge [sflag:s29], $0x1  }
0x2c: {  	[sflag:s29] =	ssyncadd.s32 $0xFFFFFFFF  }
0x2d: {  	_ =	strace $0x90000048  }
0x2e: {  	_ =	sfence  }
0x2f: {  	s30 =	sld [smem:$0x0];
	_ =	sdelay $0x2  }
0x30: {  	s31 =	sshll.u32 s1, $0xD;
	s1 =	sshrl.u32 s1, $0x2  }
0x31: {  	s3 =	sand.u32 $0x4000, s31;
	s1 =	sadd.s32 s1, s30  }
0x32: {  	s0 =	sor.u32 s3, s0;
	s1 =	sshll.u32 s1, $0x11  }
0x33: {  	s0 =	sor.u32 s1, s0  }
0x34: {  	s0 =	sadd.s32 $0x8F2B, s0  }
0x35: {  	[sflag:s0] =	ssyncadd.remote.s32 $0x1  }
0x36: {  	_ =	sfence.sel $0xFFFF  }
0x37: {  	[dreg:$0x0] =	wrdreg $0xFFFFFFFF;
	(pc) =	sbr.abs _section_cstart, $3  }
0x38: {  	[dreg:$0x1] =	wrdreg $0xFFFFFFFF  }
0x39: {  	_ =	task.clear_ibuf [dreg:s7], $0x2FFFF;
	_ =	strace $0x9FFFFFFF  }
0x3a: {  	(tm) =	ssettm $0x7FFFFFFF  }
0x3b: {  	_ =	shalt  }
tec
execute0_lowered:
.L_overlay_start_1:
0x0: {  	(tag) =	ssettag $0x1  }
0x1: {  	s2 =	rddreg [dreg:$0x0]  }
0x2: {  	s0 =	srdreg.scid;
	s5 =	rddreg [dreg:$0x1]  }
0x3: {  	s31 =	simm.s32 $0x2;
	s16 =	simm.s32 $0x0;
	p0 =	por $0x0, $0x0  }
0x4: {  	s8 =	simm.s32 $0xC00;
	s17 =	simm.s32 $0x0;
	s1 =	sshll.u32 s0, $0x4  }
0x5: {  	s18 =	simm.s32 $0x0;
	s0 =	stileid.u32;
	s1 =	sand.u32 $0x10, s1  }
0x6: {  	s9 =	simm.s32 $0x0;
	s10 =	simm.s32 $0x0;
	s1 =	sor.u32 s0, s1  }
0x7: {  	s11 =	simm.s32 $0x0;
	s13 =	simm.s32 $0x0;
	s3 =	sshll.u32 s1, $0x8  }
.Ltmp0:
0x8: {  	s14 =	simm.s32 $0x0;
	s4 =	ssub.s32 $0x18600, s3;
	(pc) =	sbr.rel .LBB1_1-.Ltmp0, $4  }
0x9: {  	s15 =	simm.s32 $0x0;
	s1 =	rddreg [dreg:$0x2];
	s6 =	sshrl.u32 s4, $0xD  }
0xa: {  	_ =	strace $0x80000047;
	s4 =	simm.s32 $0x1;
	s7 =	smul.u32 $0x14, s6  }
0xb: {  	s5 =	sadd.s32 $0xA00, s5;
	s12 =	smov.u32 s3;
	[sflag:s4] =	ssyncpa.u1 $0x0  }
0xc: {  	[sflag:s31] =	ssyncpa.u1 $0x0;
	s6 =	sadd.s32 $0x14, s7;
	s7 =	sadd.s32 $0x15, s7  }
.LBB1_5:
0xd: {  	p1 =	slt.u32 s15, $0x2;
	s20 =	smov.u32 s18  }
0xe: {  	p2 =	sgt.s32 @!p1 s16, $0x185A0;
	s19 =	sshra.s32 @!p1 s16, $0x1F;
	p3 =	sgt.s32 @!p1 s18, $0x17  }
0xf: {  	s21 =	sshra.s32 @!p1 s18, $0x1F;
	p2 =	por !p2, p1;
	s19 =	sand.u32 @!p1 s19, s16  }
0x10: {  	p3 =	por !p3, p1;
	s18 =	sand.u32 @!p1 s21, s18;
	s21 =	sshra.s32 @!p1 s17, $0x1F  }
0x11: {  	s20 =	simm.s32 @p3 $0x17;
	p3 =	sgt.s32 @!p1 s17, $0x60;
	s16 =	simm.s32 @p2 $0x185A0  }
0x12: {  	s18 =	ssub.s32 @!p1 s20, s18;
	p3 =	por !p3, p1;
	s20 =	smov.u32 s17  }
0x13: {  	s17 =	sand.u32 @!p1 s21, s17;
	s21 =	sadd.s32 @!p1 $0xFFFFFFE9, s18;
	s20 =	simm.s32 @p3 $0x60  }
0x14: {  	s16 =	ssub.s32 @!p1 s16, s19;
	p3 =	sgt.s32 @!p1 s21, $0x0;
	s17 =	ssub.s32 @!p1 s20, s17  }
0x15: {  	s18 =	ssub.s32 @!p1 $0x18, s18;
	p2 =	por !p3, p1;
	s20 =	sadd.s32 @!p1 $0xFFFFFFA0, s17  }
0x16: {  	s19 =	sadd.s32 @!p1 $0xFFFE7A60, s16;
	s18 =	simm.s32 @!p2 $0x0;
	p2 =	sgt.s32 @!p1 s20, $0x1F  }
0x17: {  	s16 =	ssub.s32 @!p1 $0x186A0, s16;
	s17 =	ssub.s32 @!p1 $0x80, s17;
	p2 =	por !p2, p1  }
0x18: {  	s20 =	smov.u32 s13;
	s17 =	simm.s32 @!p2 $0x0;
	p2 =	sgt.s32 @!p1 s19, $0xFF  }
0x19: {  	s19 =	sadd.s32 $0x2000, s12;
	p2 =	por !p2, p1;
	s17 =	smul.u32 @!p1 s18, s17  }
0x1a: {  	s18 =	sadd.s32 $0x20, s13;
	s16 =	simm.s32 @!p2 $0x0;
	p2 =	sgt.s32 s19, $0x1869F  }
0x1b: {  	s16 =	smul.u32 @!p1 s16, s17;
	s20 =	smov.u32 @p2 s18  }
0x1c: {  	s19 =	smov.u32 @p2 s3;
	s17 =	simm.s32 $0x1;
	p2 =	sgt.s32 s20, $0x1F  }
0x1d: {  	s17 =	simm.s32 @!p2 $0x0  }
0x1e: {  	p0 =	por !p0, !p0;
	s23 =	sadd.s32 s17, s14  }
0x1f: {  	s21 =	simm.s32 @!p1 $0x2;
	s20 =	simm.s32 @p2 $0x0;
	p2 =	sgt.s32 s23, $0x13  }
0x20: {  	s18 =	smov.u32 s11;
	s23 =	simm.s32 @p2 $0x0;
	p2 =	sne.s32 s15, s7  }
.Ltmp1:
0x21: {  	s11 =	smov.u32 s14;
	s16 =	sand.u32 @!p1 $0x3FFFFFFF, s16;
	(pc) =	sbr.rel @!p2 .LBB1_6-.Ltmp1, $4  }
0x22: {  	_ =	swait.ge @!p1 [sflag:s21], s16;
	s22 =	ssub.s32 @!p1 $0x0, s16;
	s16 =	smov.u32 s9  }
0x23: {  	s17 =	smov.u32 s10;
	s9 =	smov.u32 s12;
	s10 =	smov.u32 s13  }
0x24: {  	s12 =	smov.u32 s19;
	s13 =	smov.u32 s20;
	[sflag:s21] =	ssyncset.done @!p1 $0x0  }
0x25: {  	s15 =	sadd.s32 $0x1, s15;
	[sflag:s21] =	ssyncadd.s32 @!p1 s22;
	s14 =	smov.u32 s23  }
.LBB1_1:
0x26: {  	p1 =	sge.u32 s15, s6  }
0x27: {  	s19 =	sshrl.u32 @!p1 s13, $0x3  }
0x28: {  	s20 =	sshll.u32 @!p1 s12, $0x3;
	s19 =	smul.u32 @!p1 $0xC3800, s19  }
0x29: {  	s21 =	sshll.u32 @!p1 s13, $0x7;
	s20 =	sand.u32 @!p1 $0xFFFFFC00, s20  }
0x2a: {  	s19 =	sadd.s32 @!p1 s19, s20;
	s20 =	sand.u32 @!p1 $0x380, s21  }
0x2b: {  	s21 =	sand.u32 @!p1 $0x7F, s12;
	s19 =	sor.u32 @!p1 s20, s19  }
0x2c: {  	s20 =	sor.u32 @!p1 s21, s19  }
0x2d: {  	s21 =	smulhi.u32 @!p1 $0xA79C7B17, s20  }
0x2e: {  	s19 =	smulhi.u32 @!p1 $0xA79C7B17, s19  }
0x2f: {  	s21 =	sshrl.u32 @!p1 s21, $0x10  }
0x30: {  	s19 =	sshrl.u32 @!p1 s19, $0x10;
	s21 =	smul.u32 @!p1 $0x18700, s21  }
0x31: {  	s22 =	sxor.u32 @!p1 $0xFFFFFFFF, s15;
	s23 =	smul.u32 @!p1 $0x61C00, s14;
	s19 =	sand.u32 @!p1 $0x1F, s19  }
0x32: {  	s22 =	sshll.u32 @!p1 s22, $0xD;
	s19 =	smul.u32 @!p1 $0x30E0, s19;
	s20 =	ssub.s32 @!p1 s20, s21  }
0x33: {  	s21 =	sand.u32 @!p1 $0x2000, s22;
	s22 =	sadd.s32 @!p1 s2, s23;
	s23 =	sand.u32 @!p1 $0x7, s20  }
0x34: {  	s20 =	sshrl.u32 @!p1 s20, $0x3;
	s19 =	sadd.s32 @!p1 s19, s22;
	s22 =	sshll.u32 @!p1 s23, $0x12  }
0x35: {  	s19 =	sadd.s32 @!p1 s20, s19;
	s20 =	sor.u32 @!p1 $0x800, s22;
	s22 =	simm.s32 @!p1 $0xC3800  }
0x36: {  	[tilespmem:s21], [sflag:$0x1] =	stream.strided.gather @!p1 [hbm4b:s19+s20], $0x2000, s22, s20, $0x38;
	[tilespmem:$0x8200] =	vst v63  }
0x37: {  	p1 =	seq.s32 s15, $0x0  }
0x38: {  	p2 =	sge.u32 @!p1 s15, s7  }
0x39: {  	p1 =	por p1, p2  }
.Ltmp2:
0x3a: {  	_ = 	snop;
	(pc) =	sbr.rel @p1 .LBB1_5-.Ltmp2, $1  }
0x3b: {  	_ =	sdelay $0x3  }
0x3c: {  	s21 =	simm.s32 $0x0  }
0x3d: {  	s22 =	sand.u32 $0x1800, s21;
	s23 =	sand.u32 $0x380, s21  }
0x3e: {  	s19 =	sand.u32 $0x1, s15;
	s23 =	sor.u32 s23, s22  }
0x3f: {  	_ =	swait.ge [sflag:s4], $0x2000;
	s20 =	sshll.u32 s19, $0xD;
	s22 =	sand.u32 $0x1B00, s23  }
0x40: {  	[sflag:s4] =	ssyncset.done $0x0;
	s21 =	sand.u32 $0x80, s21;
	s22 =	sadd.s32 s22, s20  }
0x41: {  	[sflag:s4] =	ssyncadd.s32 $0xFFFFE000;
	s25 =	sadd.s32 s21, s22  }
0x42: {  	v4 =	vld [tilespmem:s25+$0x400]  }
0x43: {  	s24 =	simm.s32 $0x1;
	v5 =	vld [tilespmem:s25+$0x0]  }
0x44: {  	s24 =	simm.s32 @!p0 $0x0;
	v6 =	vld [tilespmem:s25+$0x10]  }
0x45: {  	v0 =	vmov s20;
	s31 =	smul.u32 $0x8400, s24;
	v7 =	vld [tilespmem:s25+$0x20]  }
0x46: {  	v9 =	vld [tilespmem:s25+$0x30]  }
0x47: {  	s21 =	sshrl.u32 s31, $0x2;
	v10 =	vld [tilespmem:s25+$0x40]  }
0x48: {  	s21 =	sor.u32 $0x4000, s21;
	v11 =	vld [tilespmem:s25+$0x50]  }
0x49: {  	v8 =	vld [tilespmem:s25+$0x60];
	s22 =	sadd.s32 $0x0, s21  }
0x4a: {  	v1 =	vld.idx.msk [tilespmem:v0+s23+$0x410 ss:$0x1], $0xffff;
	[tilespmem:s22+$0x1080 ss:$0x21] =	vst.msk $0xffff, v4  }
0x4b: {  	v2 =	vld.idx.msk [tilespmem:v0+s23+$0x420 ss:$0x1], $0xffff;
	[tilespmem:s22+$0x0 ss:$0x21] =	vst.msk $0xffff, v5  }
0x4c: {  	v3 =	vld.idx.msk [tilespmem:v0+s23+$0x430 ss:$0x1], $0xffff;
	[tilespmem:s22+$0x210 ss:$0x21] =	vst.msk $0xffff, v6  }
0x4d: {  	s19 =	smul.u32 $0x8400, s19;
	[tilespmem:s22+$0x420 ss:$0x21] =	vst.msk $0xffff, v7;
	v7 =	vld [tilespmem:s25+$0x70]  }
0x4e: {  	s26 =	simm.s32 $0x100;
	s27 =	simm.s32 $0x8;
	[tilespmem:s22+$0x630 ss:$0x21] =	vst.msk $0xffff, v9;
	v4 =	vld.idx.msk [tilespmem:v0+s23+$0x440 ss:$0x1], $0xffff  }
0x4f: {  	s28 =	sand.u32 $0x1800, s26;
	s19 =	sshrl.u32 s19, $0x2;
	[tilespmem:s22+$0x840 ss:$0x21] =	vst.msk $0xffff, v10;
	v5 =	vld.idx.msk [tilespmem:v0+s23+$0x450 ss:$0x1], $0xffff;
	s25 =	simm.s32 $0x80  }
0x50: {  	s24 =	simm.s32 $0x4;
	s19 =	sor.u32 $0x4000, s19;
	[tilespmem:s22+$0xA50 ss:$0x21] =	vst.msk $0xffff, v11;
	v6 =	vld.idx.msk [tilespmem:v0+s23+$0x460 ss:$0x1], $0xffff;
	s29 =	sand.u32 $0x380, s25  }
.LBB1_3:
0x51: {  	p1 =	sne.s32 s27, $0x7C;
	[tilespmem:s22+$0xC60 ss:$0x21] =	vst.msk $0xffff, v8;
	v8 =	vld.idx.msk [tilespmem:v0+s23+$0x470 ss:$0x1], $0xffff;
	s23 =	sor.u32 s29, s28  }
0x52: {  	s28 =	sand.u32 $0x1B00, s23;
	v9 =	vld.idx.msk [tilespmem:v0+s23+$0x410 ss:$0x1], $0xffff;
	[tilespmem:s22+$0xE70 ss:$0x21] =	vst.msk $0xffff, v7  }
0x53: {  	s29 =	sand.u32 $0x80, s25;
	s28 =	sadd.s32 s28, s20;
	v7 =	vld.idx.msk [tilespmem:v0+s23+$0x420 ss:$0x1], $0xffff;
	[tilespmem:s22+$0x1290 ss:$0x21] =	vst.msk $0xffff, v1  }
0x54: {  	s28 =	sadd.s32 s29, s28;
	v10 =	vld.idx.msk [tilespmem:v0+s23+$0x430 ss:$0x1], $0xffff;
	[tilespmem:s22+$0x14A0 ss:$0x21] =	vst.msk $0xffff, v2  }
0x55: {  	v11 =	vld [tilespmem:s28+$0x400];
	[tilespmem:s22+$0x16B0 ss:$0x21] =	vst.msk $0xffff, v3  }
0x56: {  	v12 =	vld [tilespmem:s28+$0x0];
	[tilespmem:s22+$0x18C0 ss:$0x21] =	vst.msk $0xffff, v4  }
0x57: {  	v4 =	vld [tilespmem:s28+$0x10];
	[tilespmem:s22+$0x1AD0 ss:$0x21] =	vst.msk $0xffff, v5  }
0x58: {  	s29 =	sshra.s32 s24, $0x2;
	s24 =	smov.u32 s27;
	v1 =	vmov v9;
	v5 =	vld [tilespmem:s28+$0x20];
	[tilespmem:s22+$0x1CE0 ss:$0x21] =	vst.msk $0xffff, v6  }
0x59: {  	v2 =	vmov v7;
	v6 =	vld [tilespmem:s28+$0x30];
	[tilespmem:s22+$0x1EF0 ss:$0x21] =	vst.msk $0xffff, v8;
	s22 =	sadd.s32 s29, s21  }
0x5a: {  	v3 =	vmov v10;
	v9 =	vld [tilespmem:s28+$0x40];
	[tilespmem:s22+$0x1080 ss:$0x21] =	vst.msk $0xffff, v11  }
0x5b: {  	[tilespmem:s22+$0x0 ss:$0x21] =	vst.msk $0xffff, v12;
	v10 =	vld [tilespmem:s28+$0x50]  }
.Ltmp3:
0x5c: {  	[tilespmem:s22+$0x210 ss:$0x21] =	vst.msk $0xffff, v4;
	v8 =	vld [tilespmem:s28+$0x60];
	(pc) =	sbr.rel @p1 .LBB1_3-.Ltmp3, $4  }
0x5d: {  	[tilespmem:s22+$0x420 ss:$0x21] =	vst.msk $0xffff, v5;
	v7 =	vld [tilespmem:s28+$0x70]  }
0x5e: {  	[tilespmem:s22+$0x630 ss:$0x21] =	vst.msk $0xffff, v6;
	v4 =	vld.idx.msk [tilespmem:v0+s23+$0x440 ss:$0x1], $0xffff  }
0x5f: {  	s25 =	sadd.s32 $0x80, s25;
	s26 =	sadd.s32 $0x100, s26;
	[tilespmem:s22+$0x840 ss:$0x21] =	vst.msk $0xffff, v9;
	v5 =	vld.idx.msk [tilespmem:v0+s23+$0x450 ss:$0x1], $0xffff  }
0x60: {  	s27 =	sadd.s32 $0x4, s27;
	s29 =	sand.u32 $0x380, s25;
	s28 =	sand.u32 $0x1800, s26;
	[tilespmem:s22+$0xA50 ss:$0x21] =	vst.msk $0xffff, v10;
	v6 =	vld.idx.msk [tilespmem:v0+s23+$0x460 ss:$0x1], $0xffff  }
0x61: {  	_ =	sdelay $0x3  }
0x62: {  	s26 =	sor.u32 s29, s28;
	v47 =	vld.idx.msk [tilespmem:v0+s23+$0x470 ss:$0x1], $0xffff  }
0x63: {  	v57 =	vld.idx.msk [tilespmem:v0+s26+$0x410 ss:$0x1], $0xffff  }
0x64: {  	v58 =	vld.idx.msk [tilespmem:v0+s26+$0x420 ss:$0x1], $0xffff  }
0x65: {  	v59 =	vld.idx.msk [tilespmem:v0+s26+$0x430 ss:$0x1], $0xffff  }
0x66: {  	v60 =	vld.idx.msk [tilespmem:v0+s26+$0x440 ss:$0x1], $0xffff  }
0x67: {  	s27 =	sand.u32 $0x1B00, s26;
	v61 =	vld.idx.msk [tilespmem:v0+s26+$0x450 ss:$0x1], $0xffff  }
0x68: {  	[tilespmem:s22+$0xC60 ss:$0x21] =	vst.msk $0xffff, v8;
	s25 =	sand.u32 $0x80, s25;
	v62 =	vld.idx.msk [tilespmem:v0+s26+$0x460 ss:$0x1], $0xffff;
	s20 =	sadd.s32 s27, s20  }
0x69: {  	[tilespmem:s22+$0x1290 ss:$0x21] =	vst.msk $0xffff, v1;
	v63 =	vld.idx.msk [tilespmem:v0+s26+$0x470 ss:$0x1], $0xffff;
	s23 =	sadd.s32 s25, s20  }
0x6a: {  	[tilespmem:s22+$0x14A0 ss:$0x21] =	vst.msk $0xffff, v2;
	v48 =	vld [tilespmem:s23+$0x400]  }
0x6b: {  	[tilespmem:s22+$0x16B0 ss:$0x21] =	vst.msk $0xffff, v3;
	v49 =	vld [tilespmem:s23+$0x0]  }
0x6c: {  	[tilespmem:s22+$0xE70 ss:$0x21] =	vst.msk $0xffff, v7;
	v50 =	vld [tilespmem:s23+$0x10]  }
0x6d: {  	[tilespmem:s22+$0x18C0 ss:$0x21] =	vst.msk $0xffff, v4;
	v51 =	vld [tilespmem:s23+$0x20]  }
0x6e: {  	s29 =	sshll.u32 s10, $0x3;
	s24 =	sshra.s32 s24, $0x2;
	p1 =	sgt.s32 s9, $0x185A0;
	[tilespmem:s22+$0x1AD0 ss:$0x21] =	vst.msk $0xffff, v5;
	v52 =	vld [tilespmem:s23+$0x30]  }
0x6f: {  	s28 =	sshra.s32 s11, $0x1F;
	s31 =	sand.u32 $0xFFFFFC00, s29;
	s29 =	sshra.s32 s10, $0x1F;
	[tilespmem:s22+$0x1CE0 ss:$0x21] =	vst.msk $0xffff, v6;
	v53 =	vld [tilespmem:s23+$0x40]  }
0x70: {  	s26 =	smul.u32 $0x180, s9;
	s25 =	sshll.u32 s11, $0x7;
	s20 =	sadd.s32 s24, s21;
	v54 =	vld [tilespmem:s23+$0x50];
	[tilespmem:s22+$0x1EF0 ss:$0x21] =	vst.msk $0xffff, v47  }
0x71: {  	s27 =	sshra.s32 s9, $0x1F;
	s30 =	sand.u32 $0xFFFFFC00, s25;
	s25 =	sand.u32 $0x380, s25;
	v55 =	vld [tilespmem:s23+$0x60];
	[tilespmem:s20+$0x1290 ss:$0x21] =	vst.msk $0xffff, v57  }
0x72: {  	v56 =	vld [tilespmem:s23+$0x70];
	s23 =	sand.u32 s28, s11;
	s24 =	sadd.s32 s30, s31;
	s22 =	smov.u32 s9;
	[tilespmem:s20+$0x14A0 ss:$0x21] =	vst.msk $0xffff, v58  }
0x73: {  	s30 =	sand.u32 s29, s10;
	s21 =	sor.u32 s25, s24;
	s22 =	simm.s32 @!p1 $0x185A0;
	[tilespmem:s20+$0x16B0 ss:$0x21] =	vst.msk $0xffff, v59  }
0x74: {  	s24 =	sand.u32 s27, s9;
	p1 =	sgt.s32 s11, $0x17;
	s25 =	smov.u32 s11;
	[tilespmem:s20+$0x18C0 ss:$0x21] =	vst.msk $0xffff, v60  }
0x75: {  	s27 =	sshrl.u32 s10, $0x3;
	[tilespmem:s20+$0x1AD0 ss:$0x21] =	vst.msk $0xffff, v61;
	s21 =	sshrl.u32 s21, $0x7;
	s22 =	ssub.s32 s22, s24  }
0x76: {  	[tilespmem:s20+$0x1CE0 ss:$0x21] =	vst.msk $0xffff, v62;
	s25 =	simm.s32 @!p1 $0x17;
	p1 =	sgt.s32 s10, $0x60;
	s24 =	smov.u32 s10  }
0x77: {  	[tilespmem:s20+$0x1EF0 ss:$0x21] =	vst.msk $0xffff, v63;
	s23 =	ssub.s32 s25, s23;
	s24 =	simm.s32 @!p1 $0x60;
	s31 =	smulhi.u32 $0xAAAAAAB, s21  }
0x78: {  	[tilespmem:s20+$0x1080 ss:$0x21] =	vst.msk $0xffff, v48;
	s24 =	ssub.s32 s24, s30;
	s28 =	sadd.s32 $0xFFFFFFE9, s23;
	s23 =	ssub.s32 $0x18, s23  }
0x79: {  	[tilespmem:s20+$0x0 ss:$0x21] =	vst.msk $0xffff, v49;
	p1 =	sgt.s32 s28, $0x0;
	s29 =	sadd.s32 $0xFFFFFFA0, s24;
	s24 =	ssub.s32 $0x80, s24  }
0x7a: {  	[tilespmem:s20+$0x210 ss:$0x21] =	vst.msk $0xffff, v50;
	s30 =	smul.u32 $0x18, s31;
	s23 =	simm.s32 @p1 $0x0;
	p1 =	sgt.s32 s29, $0x1F  }
0x7b: {  	[tilespmem:s20+$0x420 ss:$0x21] =	vst.msk $0xffff, v51;
	s31 =	sadd.s32 $0xFFFE7A60, s22;
	s22 =	ssub.s32 $0x186A0, s22;
	s24 =	simm.s32 @p1 $0x0  }
0x7c: {  	[tilespmem:s20+$0x630 ss:$0x21] =	vst.msk $0xffff, v52;
	s28 =	sand.u32 $0x7, s10;
	p1 =	sgt.s32 s31, $0xFF;
	s23 =	smul.u32 s23, s24  }
.Ltmp4:
0x7d: {  	[tilespmem:s20+$0x840 ss:$0x21] =	vst.msk $0xffff, v53;
	s21 =	ssub.s32 s21, s30;
	s22 =	simm.s32 @p1 $0x0;
	(pc) =	sbr.rel .LBB1_5-.Ltmp4, $4  }
0x7e: {  	[tilespmem:s20+$0xA50 ss:$0x21] =	vst.msk $0xffff, v54;
	s24 =	sadd.s32 s5, s26;
	s22 =	smul.u32 s22, s23;
	s23 =	sand.u32 $0xF, s27  }
0x7f: {  	[tilespmem:s20+$0xC60 ss:$0x21] =	vst.msk $0xffff, v55;
	s29 =	sshll.u32 s28, $0x12;
	s21 =	sshll.u32 s21, $0x4;
	s23 =	sadd.s32 s23, s24  }
0x80: {  	[tilespmem:s20+$0xE70 ss:$0x21] =	vst.msk $0xffff, v56;
	s31 =	sor.u32 $0x20, s29;
	s30 =	sand.u32 $0x3FFFFFFF, s22;
	s21 =	sadd.s32 s21, s23  }
0x81: {  	[hbm4b:s21+s31] =	stream.strided.scatter [tilespmem:s19], [sflag:$0x2], s30, s8, s31, $0x10;
	[tilespmem:$0x8200] =	vst v63  }
.LBB1_6:
0x82: {  	_ =	sfence.sel $0x180000  }
0x83: {  	s2 =	simm.s32 $0x1;
	[bflag:$0x0] =	sbarrier.arrive $0xFFFF  }
0x84: {  	s31 =	simm.s32 $0x2;
	[sflag:s2] =	ssyncpa.u1 $0x1  }
0x85: {  	[sflag:s31] =	ssyncpa.u1 $0x1  }
0x86: {  	p0 =	sne.s32 s0, $0x0;
	_ =	strace $0x90000047  }
0x87: {  	s0 =	sadd.s32 @!p0 $0x100000, s1;
	[bflag:$0x2] =	sbarrier.arrive $0xFFFF  }
0x88: {  	[sflag:s0] =	ssyncadd.tile.s32 @!p0 $0x1;
	_ =	shalt  }
.Lfunc_end1:
_tile_overlayer_lowered:
.L_overlay_start_2:
0x89: {  	(tag) =	ssettag $0x2  }
0x8a: {  	s0 =	rddreg [dreg:$0x0];
	s2 =	stileid.u32  }
0x8b: {  	s1 =	rddreg [dreg:$0x1];
	p0 =	sne.s32 s2, $0x0  }
0x8c: {  	s3 =	rddreg [dreg:$0x2];
	[bflag:$0x3] =	sbarrier.arrive $0xFFFF;
	s2 =	simm.s32 @!p0 $0x1C01  }
0x8d: {  	[timem:s3], [sflag:s2] =	dma.local @!p0 [hbm:s0], s1  }
0x8e: {  	s0 =	simm.s32 @!p0 $0x1  }
0x8f: {  	_ =	swait.ge @!p0 [sflag:s0], s1  }
0x90: {  	s1 =	ssub.s32 @!p0 $0x0, s1;
	[sflag:s0] =	ssyncset.done @!p0 $0x0  }
0x91: {  	[sflag:s0] =	ssyncadd.s32 @!p0 s1  }
0x92: {  	[bflag:$0x3] =	sbarrier.arrive $0xFFFF  }
0x93: {  	_ =	shalt  }

</sc_bundles>
